<compile_context>
chip_gen: v7x
topology: tpu7x:2x2x1
jax: 0.10.2.dev20260603
libtpu: 0.0.44.dev20260713+nightly
codegen_flags: <defaults>
</compile_context>

<pallas_src>
import functools

import jax
import jax.numpy as jnp
from jax import lax
from jax.experimental import pallas as pl
from jax.experimental.pallas import tpu as pltpu
from jax.experimental.pallas import tpu_sc as plsc

NUM_CLASSES = 80
ALPHA = 0.25
GAMMA = 2.0


_TC_COLS = 1024
_TC_ROWS = 1024


def _fl0(x):
    ax = jnp.abs(x)
    e = jnp.exp(-ax)
    l = jnp.log1p(e)
    inv = 1.0 / (1.0 + e)
    p = jnp.where(x >= 0.0, inv, e * inv)
    sp = jnp.maximum(x, 0.0) + l
    return (1.0 - ALPHA) * (p * p) * sp


def _dense_body(x_ref, out_ref):
    @pl.when(pl.program_id(0) == 0)
    def _():
        out_ref[0, 0] = 0.0

    out_ref[0, 0] += jnp.sum(_fl0(x_ref[...]))


def _dense_sum(xf):
    grid = (xf.shape[0] // _TC_ROWS,)
    out = pl.pallas_call(
        _dense_body,
        grid=grid,
        in_specs=[pl.BlockSpec((_TC_ROWS, _TC_COLS), lambda i: (i, 0))],
        out_specs=pl.BlockSpec(memory_space=pltpu.SMEM),
        out_shape=jax.ShapeDtypeStruct((1, 1), jnp.float32),
    )(xf)
    return out[0, 0]




def _corr_body(g_ref, c_ref, out_ref):
    g = g_ref[...]
    c = c_ref[...]
    fg = c != NUM_CLASSES

    ax = jnp.abs(g)
    e = jnp.exp(-ax)
    l = jnp.log1p(e)
    inv = 1.0 / (1.0 + e)
    p = jnp.where(g >= 0.0, inv, e * inv)
    q = 1.0 - p
    fl0 = (1.0 - ALPHA) * (p * p) * (jnp.maximum(g, 0.0) + l)
    fl1 = ALPHA * (q * q) * (jnp.maximum(-g, 0.0) + l)
    out_ref[0, 0] = jnp.sum(jnp.where(fg, fl1 - fl0, 0.0))


def _corr_sum(g2, c2):
    out = pl.pallas_call(
        _corr_body,
        out_specs=pl.BlockSpec(memory_space=pltpu.SMEM),
        out_shape=jax.ShapeDtypeStruct((1, 1), jnp.float32),
    )(g2, c2)
    return out[0, 0]



_SC_WORKERS = 32
_LANES = 16


def _sc_body(xflat, pb, bt, cls_hbm, part_out, g_out,
             vpb, vbt, vcls, vidx, vg, vacc, sem):
    rows = vcls.shape[0]
    wid = lax.axis_index("s") * 2 + lax.axis_index("c")
    base = wid * rows
    pltpu.sync_copy(cls_hbm.at[pl.ds(base, rows)], vcls)
    pltpu.sync_copy(pb.at[pl.ds(base * 4, rows * 4)], vpb)
    pltpu.sync_copy(bt.at[pl.ds(base * 4, rows * 4)], vbt)

    iota = lax.iota(jnp.int32, _LANES)
    ncv = jnp.full((_LANES,), NUM_CLASSES, jnp.int32)
    c79 = jnp.full((_LANES,), NUM_CLASSES - 1, jnp.int32)
    zerov = jnp.zeros((_LANES,), jnp.float32)
    onev = jnp.ones((_LANES,), jnp.float32)
    lane = iota
    q0 = lane < jnp.full((_LANES,), 4, jnp.int32)
    q1 = lane < jnp.full((_LANES,), 8, jnp.int32)
    q2 = lane < jnp.full((_LANES,), 12, jnp.int32)
    base4 = (lane & jnp.full((_LANES,), 3, jnp.int32)) * jnp.full(
        (_LANES,), 4, jnp.int32)
    idxk = [(base4 + jnp.full((_LANES,), k, jnp.int32))[:, None]
            for k in range(4)]
    gdn = lax.GatherDimensionNumbers(
        offset_dims=(), collapsed_slice_dims=(0,), start_index_map=(0,))

    def _perm(v, idx):
        return lax.gather(v, idx, gdn, (1,),
                          mode=lax.GatherScatterMode.PROMISE_IN_BOUNDS)

    def _deint(vmem, o4):
        a = vmem[pl.ds(o4, _LANES)]
        b = vmem[pl.ds(o4 + 16, _LANES)]
        c = vmem[pl.ds(o4 + 32, _LANES)]
        d = vmem[pl.ds(o4 + 48, _LANES)]
        outs = []
        for k in range(4):
            pa, pb_, pc, pd = (_perm(v, idxk[k]) for v in (a, b, c, d))
            outs.append(jnp.where(q0, pa, jnp.where(q1, pb_, jnp.where(q2, pc, pd))))
        return outs

    def idx_step(j, carry):
        o = j * _LANES
        s = pl.ds(o, _LANES)
        c = vcls[s]
        row = jnp.full((_LANES,), base + o, jnp.int32) + iota
        vidx[s] = row * ncv + jnp.minimum(c, c79)
        return carry

    lax.fori_loop(0, rows // _LANES, idx_step, 0)
    gather = pltpu.async_copy(xflat.at[vidx], vg, sem)

    def step(j, carry):
        reg_acc, cnt_acc = carry
        o = j * _LANES
        s = pl.ds(o, _LANES)
        px0, py0, px1, py1 = _deint(vpb, o * 4)
        tx0, ty0, tx1, ty1 = _deint(vbt, o * 4)
        fg = vcls[s] != ncv

        area1 = (px1 - px0) * (py1 - py0)
        area2 = (tx1 - tx0) * (ty1 - ty0)
        iw = jnp.maximum(jnp.minimum(px1, tx1) - jnp.maximum(px0, tx0), zerov)
        ih = jnp.maximum(jnp.minimum(py1, ty1) - jnp.maximum(py0, ty0), zerov)
        inter = iw * ih
        union = area1 + area2 - inter
        iou = inter / union
        cw = jnp.maximum(px1, tx1) - jnp.minimum(px0, tx0)
        ch = jnp.maximum(py1, ty1) - jnp.minimum(py0, ty0)
        areac = jnp.maximum(cw, zerov) * jnp.maximum(ch, zerov)
        giou = iou - (areac - union) / areac

        reg_acc = reg_acc + jnp.where(fg, onev - giou, zerov)
        cnt_acc = cnt_acc + jnp.where(fg, onev, zerov)
        return reg_acc, cnt_acc

    zero = jnp.zeros((_LANES,), jnp.float32)
    reg_acc, cnt_acc = lax.fori_loop(0, rows // _LANES, step, (zero, zero))
    vacc[0] = reg_acc
    vacc[1] = cnt_acc
    pltpu.sync_copy(vacc, part_out.at[wid])
    gather.wait()
    pltpu.sync_copy(vg, g_out.at[pl.ds(base, rows)])


def _sc_run(xflat, pb2, bt2, cls_i32):
    n = cls_i32.shape[0]
    rows = n // _SC_WORKERS
    mesh = plsc.VectorSubcoreMesh(core_axis_name="c", subcore_axis_name="s")
    run = pl.kernel(
        _sc_body,
        out_type=[
            jax.ShapeDtypeStruct((_SC_WORKERS, 2, _LANES), jnp.float32),
            jax.ShapeDtypeStruct((n,), jnp.float32),
        ],
        mesh=mesh,
        scratch_types=[
            pltpu.VMEM((rows * 4,), jnp.float32),
            pltpu.VMEM((rows * 4,), jnp.float32),
            pltpu.VMEM((rows,), jnp.int32),
            pltpu.VMEM((rows,), jnp.int32),
            pltpu.VMEM((rows,), jnp.float32),
            pltpu.VMEM((2, _LANES), jnp.float32),
            pltpu.SemaphoreType.DMA,
        ],
    )
    return run(xflat, pb2, bt2, cls_i32)




def kernel(pred_cls, pred_box, mask, cls_targets, box_targets):
    c_count = pred_cls.shape[-1]
    n = pred_cls.shape[0] * pred_cls.shape[1]
    xf = pred_cls.reshape(n * c_count // _TC_COLS, _TC_COLS)
    xflat = pred_cls.reshape(n * c_count)
    cls_i32 = cls_targets.reshape(n).astype(jnp.int32)
    pb2 = pred_box.reshape(n * 4)
    bt2 = box_targets.reshape(n * 4)

    dense = _dense_sum(xf)
    part, g = _sc_run(xflat, pb2, bt2, cls_i32)
    corr = _corr_sum(g.reshape(n // _TC_COLS, _TC_COLS),
                     cls_i32.reshape(n // _TC_COLS, _TC_COLS))
    reg_sum = part[:, 0, :].sum()
    num_fg = jnp.maximum(part[:, 1, :].sum(), 1.0)

    return ((dense + corr) / num_fg, reg_sum / num_fg)

# --- scband reference (transcript-rebuilt; emitter-appended) ---
"""Pipeline reference for scband-otacriterion-7352984011368 (READ-ONLY COPY).

The authoritative reference and input builder live on the scoring server;
editing this copy changes nothing except your own understanding.
"""

import jax, jax.numpy as jnp
import numpy as np

NUM_CLASSES = 80
ALPHA = 0.25
GAMMA = 2.0


def _make_boxes(kxy, kwh, shape_prefix):
    xy = jax.random.uniform(kxy, shape_prefix + (2,), dtype=jnp.float32) * 512.0
    wh = jax.random.uniform(kwh, shape_prefix + (2,), dtype=jnp.float32) * 100.0 + 1.0
    return jnp.concatenate([xy, xy + wh], axis=-1)


def setup_inputs(seed: int = 0) -> dict:
    key = jax.random.key(seed)
    ks = jax.random.split(key, 6)
    B, M, C = 8, 16384, NUM_CLASSES
    N = B * M
    pred_cls = jax.random.normal(ks[0], (B, M, C), dtype=jnp.float32)
    pred_box = _make_boxes(ks[1], ks[2], (B, M))
    mask = jnp.zeros((B, M), dtype=bool)  # outputs['mask']: padding mask, all valid
    cls_targets = jax.random.randint(ks[3], (N,), 0, 81)  # values in [0, 80]; 80 == background
    box_targets = _make_boxes(ks[4], ks[5], (N,))
    return {
        'pred_cls': pred_cls,
        'pred_box': pred_box,
        'mask': mask,
        'cls_targets': cls_targets,
        'box_targets': box_targets,
    }


def sigmoid_focal_loss(inputs, targets, alpha, gamma):
    p = jax.nn.sigmoid(inputs)
    # numerically stable BCE with logits (reduction='none')
    ce = jnp.maximum(inputs, 0.0) - inputs * targets + jnp.log1p(jnp.exp(-jnp.abs(inputs)))
    p_t = p * targets + (1.0 - p) * (1.0 - targets)
    loss = ce * ((1.0 - p_t) ** gamma)
    alpha_t = alpha * targets + (1.0 - alpha) * (1.0 - targets)
    return alpha_t * loss


def elementwise_giou(b1, b2):
    # == torch.diag(generalized_box_iou(b1, b2)), same math computed pairwise-on-diagonal
    area1 = (b1[:, 2] - b1[:, 0]) * (b1[:, 3] - b1[:, 1])
    area2 = (b2[:, 2] - b2[:, 0]) * (b2[:, 3] - b2[:, 1])
    lt = jnp.maximum(b1[:, :2], b2[:, :2])
    rb = jnp.minimum(b1[:, 2:], b2[:, 2:])
    wh = jnp.clip(rb - lt, 0.0, None)
    inter = wh[:, 0] * wh[:, 1]
    union = area1 + area2 - inter
    iou = inter / union
    ltc = jnp.minimum(b1[:, :2], b2[:, :2])
    rbc = jnp.maximum(b1[:, 2:], b2[:, 2:])
    whc = jnp.clip(rbc - ltc, 0.0, None)
    areac = whc[:, 0] * whc[:, 1]
    return iou - (areac - union) / areac


def reference(pred_cls, pred_box, mask, cls_targets, box_targets):
    C = NUM_CLASSES
    cls_preds = pred_cls.reshape(-1, C)
    box_preds = pred_box.reshape(-1, 4)
    masks = jnp.logical_not(mask).reshape(-1)  # mask = ~outputs['mask']
    cls_t = cls_targets.reshape(-1)
    box_t = box_targets.reshape(-1, 4)

    foreground_idxs = (cls_t >= 0) & (cls_t != C)
    num_foreground = jnp.maximum(foreground_idxs.sum().astype(jnp.float32), 1.0)

    # cls_targets_one_hot: zeros everywhere except foreground rows at their target class
    one_hot = jnp.where(foreground_idxs[:, None],
                        jax.nn.one_hot(cls_t, C, dtype=cls_preds.dtype), 0.0)

    valid_idxs = (cls_t >= 0) & masks

    # loss_labels: focal loss summed over valid rows (masked-sum == index-then-sum)
    fl = sigmoid_focal_loss(cls_preds, one_hot, ALPHA, GAMMA)
    loss_cls = jnp.where(valid_idxs[:, None], fl, 0.0).sum() / num_foreground

    # loss_bboxes: 1 - diag(giou) summed over foreground rows
    giou = elementwise_giou(box_preds, box_t)
    loss_reg = jnp.where(foreground_idxs, 1.0 - giou, 0.0).sum() / num_foreground

    return (loss_cls, loss_reg)

if __name__ == "__main__":
    import jax
    _d = setup_inputs()
    print(jax.jit(kernel)(*tuple(_d.values())))

</pallas_src>

<mosaic_0001>
#map = affine_map<(d0, d1) -> (0)>
#map1 = affine_map<(d0, d1) -> (0, 0, 0)>
module attributes {stable_mosaic.version = 14 : i64} {
  func.func @_sc_body(%arg0: i32, %arg1: i32, %arg2: memref<10485760xf32, #tpu.memory_space<hbm>>, %arg3: memref<524288xf32, #tpu.memory_space<hbm>>, %arg4: memref<524288xf32, #tpu.memory_space<hbm>>, %arg5: memref<131072xi32, #tpu.memory_space<hbm>>, %arg6: memref<32x2x16xf32, #tpu.memory_space<hbm>>, %arg7: memref<131072xf32, #tpu.memory_space<hbm>>, %arg8: memref<16384xf32, #tpu.memory_space<vmem>>, %arg9: memref<16384xf32, #tpu.memory_space<vmem>>, %arg10: memref<4096xi32, #tpu.memory_space<vmem>>, %arg11: memref<4096xi32, #tpu.memory_space<vmem>>, %arg12: memref<4096xf32, #tpu.memory_space<vmem>>, %arg13: memref<2x16xf32, #tpu.memory_space<vmem>>, %arg14: memref<!tpu.dma_semaphore, #tpu.memory_space<semaphore_mem>>) attributes {dimension_semantics = [#tpu.dimension_semantics<core_parallel>, #tpu.dimension_semantics<subcore_parallel>], iteration_bounds = array<i64: 2, 16>, scalar_prefetch = 0 : i64, scratch_operands = 7 : i64, tpu.core_type = #tpu.core_type<sc_vector_subcore>, window_params = [{transform_indices = #map}, {transform_indices = #map}, {transform_indices = #map}, {transform_indices = #map}, {transform_indices = #map1}, {transform_indices = #map}]} {
    %mul3A = arith.constant 2 : i32
    %mul3A_0 = arith.muli %arg1, %mul3A : i32
    %add3A = arith.addi %mul3A_0, %arg0 : i32
    %mul3A_1 = arith.constant 4096 : i32
    %mul3A_2 = arith.muli %add3A, %mul3A_1 : i32
    "tpu.region"() ({
      %run_scoped3A = tpu.sem_alloc : memref<!tpu.dma_semaphore, #tpu.memory_space<semaphore_mem>>
      %dma_start3A_69 = tpu.memref_slice %arg5[%mul3A_2] : memref<131072xi32, #tpu.memory_space<hbm>> -> memref<4096xi32, #tpu.memory_space<hbm>>
      %dma_start3A_70 = tpu.memref_slice %arg5[%mul3A_2] : memref<131072xi32, #tpu.memory_space<hbm>> -> memref<4096xi32, #tpu.memory_space<hbm>>
      tpu.enqueue_dma source(%dma_start3A_70 : memref<4096xi32, #tpu.memory_space<hbm>>) target(%arg10 : memref<4096xi32, #tpu.memory_space<vmem>>) target_semaphore(%run_scoped3A : memref<!tpu.dma_semaphore, #tpu.memory_space<semaphore_mem>>)
      %dma_wait3A_71 = tpu.memref_slice %arg5[%mul3A_2] : memref<131072xi32, #tpu.memory_space<hbm>> -> memref<4096xi32, #tpu.memory_space<hbm>>
      %dma_wait3A_72 = tpu.memref_slice %arg5[%mul3A_2] : memref<131072xi32, #tpu.memory_space<hbm>> -> memref<4096xi32, #tpu.memory_space<hbm>>
      tpu.wait_dma2 semaphore(%run_scoped3A : memref<!tpu.dma_semaphore, #tpu.memory_space<semaphore_mem>>) src(%dma_wait3A_72 : memref<4096xi32, #tpu.memory_space<hbm>>) dst(%arg10 : memref<4096xi32, #tpu.memory_space<vmem>>)
      tpu.yield
    }) : () -> ()
    %mul3A_3 = arith.constant 4 : i32
    %mul3A_4 = arith.muli %mul3A_2, %mul3A_3 : i32
    "tpu.region"() ({
      %run_scoped3A = tpu.sem_alloc : memref<!tpu.dma_semaphore, #tpu.memory_space<semaphore_mem>>
      %dma_start3A_69 = tpu.memref_slice %arg3[%mul3A_4] : memref<524288xf32, #tpu.memory_space<hbm>> -> memref<16384xf32, #tpu.memory_space<hbm>>
      %dma_start3A_70 = tpu.memref_slice %arg3[%mul3A_4] : memref<524288xf32, #tpu.memory_space<hbm>> -> memref<16384xf32, #tpu.memory_space<hbm>>
      tpu.enqueue_dma source(%dma_start3A_70 : memref<16384xf32, #tpu.memory_space<hbm>>) target(%arg8 : memref<16384xf32, #tpu.memory_space<vmem>>) target_semaphore(%run_scoped3A : memref<!tpu.dma_semaphore, #tpu.memory_space<semaphore_mem>>)
      %dma_wait3A_71 = tpu.memref_slice %arg3[%mul3A_4] : memref<524288xf32, #tpu.memory_space<hbm>> -> memref<16384xf32, #tpu.memory_space<hbm>>
      %dma_wait3A_72 = tpu.memref_slice %arg3[%mul3A_4] : memref<524288xf32, #tpu.memory_space<hbm>> -> memref<16384xf32, #tpu.memory_space<hbm>>
      tpu.wait_dma2 semaphore(%run_scoped3A : memref<!tpu.dma_semaphore, #tpu.memory_space<semaphore_mem>>) src(%dma_wait3A_72 : memref<16384xf32, #tpu.memory_space<hbm>>) dst(%arg8 : memref<16384xf32, #tpu.memory_space<vmem>>)
      tpu.yield
    }) : () -> ()
    %mul3A_5 = arith.constant 4 : i32
    %mul3A_6 = arith.muli %mul3A_2, %mul3A_5 : i32
    "tpu.region"() ({
      %run_scoped3A = tpu.sem_alloc : memref<!tpu.dma_semaphore, #tpu.memory_space<semaphore_mem>>
      %dma_start3A_69 = tpu.memref_slice %arg4[%mul3A_6] : memref<524288xf32, #tpu.memory_space<hbm>> -> memref<16384xf32, #tpu.memory_space<hbm>>
      %dma_start3A_70 = tpu.memref_slice %arg4[%mul3A_6] : memref<524288xf32, #tpu.memory_space<hbm>> -> memref<16384xf32, #tpu.memory_space<hbm>>
      tpu.enqueue_dma source(%dma_start3A_70 : memref<16384xf32, #tpu.memory_space<hbm>>) target(%arg9 : memref<16384xf32, #tpu.memory_space<vmem>>) target_semaphore(%run_scoped3A : memref<!tpu.dma_semaphore, #tpu.memory_space<semaphore_mem>>)
      %dma_wait3A_71 = tpu.memref_slice %arg4[%mul3A_6] : memref<524288xf32, #tpu.memory_space<hbm>> -> memref<16384xf32, #tpu.memory_space<hbm>>
      %dma_wait3A_72 = tpu.memref_slice %arg4[%mul3A_6] : memref<524288xf32, #tpu.memory_space<hbm>> -> memref<16384xf32, #tpu.memory_space<hbm>>
      tpu.wait_dma2 semaphore(%run_scoped3A : memref<!tpu.dma_semaphore, #tpu.memory_space<semaphore_mem>>) src(%dma_wait3A_72 : memref<16384xf32, #tpu.memory_space<hbm>>) dst(%arg9 : memref<16384xf32, #tpu.memory_space<vmem>>)
      tpu.yield
    }) : () -> ()
    %iota3A = tpu.iota {dimensions = array<i32: 0>} : vector<16xi32>
    %broadcast_in_dim3A = arith.constant 80 : i32
    %broadcast_in_dim3A_7 = vector.broadcast %broadcast_in_dim3A : i32 to vector<16xi32>
    %broadcast_in_dim3A_8 = arith.constant 79 : i32
    %broadcast_in_dim3A_9 = vector.broadcast %broadcast_in_dim3A_8 : i32 to vector<16xi32>
    %broadcast_in_dim3A_10 = arith.constant 0.000000e+00 : f32
    %broadcast_in_dim3A_11 = vector.broadcast %broadcast_in_dim3A_10 : f32 to vector<16xf32>
    %broadcast_in_dim3A_12 = arith.constant 1.000000e+00 : f32
    %broadcast_in_dim3A_13 = vector.broadcast %broadcast_in_dim3A_12 : f32 to vector<16xf32>
    %broadcast_in_dim3A_14 = arith.constant 4 : i32
    %broadcast_in_dim3A_15 = vector.broadcast %broadcast_in_dim3A_14 : i32 to vector<16xi32>
    %lt3A = arith.cmpi slt, %iota3A, %broadcast_in_dim3A_15 : vector<16xi32>
    %broadcast_in_dim3A_16 = arith.constant 8 : i32
    %broadcast_in_dim3A_17 = vector.broadcast %broadcast_in_dim3A_16 : i32 to vector<16xi32>
    %lt3A_18 = arith.cmpi slt, %iota3A, %broadcast_in_dim3A_17 : vector<16xi32>
    %broadcast_in_dim3A_19 = arith.constant 12 : i32
    %broadcast_in_dim3A_20 = vector.broadcast %broadcast_in_dim3A_19 : i32 to vector<16xi32>
    %lt3A_21 = arith.cmpi slt, %iota3A, %broadcast_in_dim3A_20 : vector<16xi32>
    %broadcast_in_dim3A_22 = arith.constant 3 : i32
    %broadcast_in_dim3A_23 = vector.broadcast %broadcast_in_dim3A_22 : i32 to vector<16xi32>
    %and3A = arith.andi %iota3A, %broadcast_in_dim3A_23 : vector<16xi32>
    %broadcast_in_dim3A_24 = arith.constant 4 : i32
    %broadcast_in_dim3A_25 = vector.broadcast %broadcast_in_dim3A_24 : i32 to vector<16xi32>
    %mul3A_26 = arith.muli %and3A, %broadcast_in_dim3A_25 : vector<16xi32>
    %broadcast_in_dim3A_27 = arith.constant 0 : i32
    %broadcast_in_dim3A_28 = vector.broadcast %broadcast_in_dim3A_27 : i32 to vector<16xi32>
    %add3A_29 = arith.addi %mul3A_26, %broadcast_in_dim3A_28 : vector<16xi32>
    %broadcast_in_dim3A_30 = vector.shape_cast %add3A_29 : vector<16xi32> to vector<16x1xi32>
    %broadcast_in_dim3A_31 = arith.constant 1 : i32
    %broadcast_in_dim3A_32 = vector.broadcast %broadcast_in_dim3A_31 : i32 to vector<16xi32>
    %add3A_33 = arith.addi %mul3A_26, %broadcast_in_dim3A_32 : vector<16xi32>
    %broadcast_in_dim3A_34 = vector.shape_cast %add3A_33 : vector<16xi32> to vector<16x1xi32>
    %broadcast_in_dim3A_35 = arith.constant 2 : i32
    %broadcast_in_dim3A_36 = vector.broadcast %broadcast_in_dim3A_35 : i32 to vector<16xi32>
    %add3A_37 = arith.addi %mul3A_26, %broadcast_in_dim3A_36 : vector<16xi32>
    %broadcast_in_dim3A_38 = vector.shape_cast %add3A_37 : vector<16xi32> to vector<16x1xi32>
    %broadcast_in_dim3A_39 = arith.constant 3 : i32
    %broadcast_in_dim3A_40 = vector.broadcast %broadcast_in_dim3A_39 : i32 to vector<16xi32>
    %add3A_41 = arith.addi %mul3A_26, %broadcast_in_dim3A_40 : vector<16xi32>
    %broadcast_in_dim3A_42 = vector.shape_cast %add3A_41 : vector<16xi32> to vector<16x1xi32>
    %scan3A = arith.constant 0 : i32
    %scan3A_43 = arith.constant 0 : i32
    %scan3A_44 = arith.constant 256 : i32
    %scan3A_45 = arith.addi %scan3A_43, %scan3A_44 : i32
    %scan3A_46 = arith.constant 1 : i32
    scf.for %scan3A_69 = %scan3A_43 to %scan3A_45 step %scan3A_46  : i32 {
      %mul3A_70 = arith.constant 16 : i32
      %mul3A_71 = arith.muli %scan3A_69, %mul3A_70 : i32
      %get3A = arith.index_cast %mul3A_71 : i32 to index
      %get3A_72 = tpu.vector_load %arg10[%get3A] {strides = array<i32>} : memref<4096xi32, #tpu.memory_space<vmem>>, vector<16xi32>,
      %get3A_73 = vector.shape_cast %get3A_72 : vector<16xi32> to vector<16xi32>
      %add3A_74 = arith.addi %mul3A_2, %mul3A_71 : i32
      %broadcast_in_dim3A_75 = vector.broadcast %add3A_74 : i32 to vector<16xi32>
      %add3A_76 = arith.addi %broadcast_in_dim3A_75, %iota3A : vector<16xi32>
      %mul3A_77 = arith.muli %add3A_76, %broadcast_in_dim3A_7 : vector<16xi32>
      %min3A = arith.minsi %get3A_73, %broadcast_in_dim3A_9 : vector<16xi32>
      %add3A_78 = arith.addi %mul3A_77, %min3A : vector<16xi32>
      %swap3A_79 = arith.index_cast %mul3A_71 : i32 to index
      %swap3A_80 = tpu.vector_load %arg11[%swap3A_79] {strides = array<i32>} : memref<4096xi32, #tpu.memory_space<vmem>>, vector<16xi32>,
      %swap3A_81 = vector.shape_cast %swap3A_80 : vector<16xi32> to vector<16xi32>
      %swap3A_82 = vector.shape_cast %add3A_78 : vector<16xi32> to vector<16xi32>
      tpu.vector_store %arg11[%swap3A_79], %swap3A_82 {strides = array<i32>} : memref<4096xi32, #tpu.memory_space<vmem>>, vector<16xi32>,
    }
    %scan3A_47 = arith.constant 256 : i32
    %dma_start3A = arith.constant 0 : i32
    %dma_start3A_48 = tpu.memref_slice %arg2[%dma_start3A] : memref<10485760xf32, #tpu.memory_space<hbm>> -> memref<10485760xf32, #tpu.memory_space<hbm>>
    tpu.enqueue_indirect_dma source(%dma_start3A_48 : memref<10485760xf32, #tpu.memory_space<hbm>>) target(%arg12 : memref<4096xf32, #tpu.memory_space<vmem>>) offsets(%arg11 : memref<4096xi32, #tpu.memory_space<vmem>>) semaphore(%arg14 : memref<!tpu.dma_semaphore, #tpu.memory_space<semaphore_mem>>)
    %broadcast_in_dim3A_49 = arith.constant 0.000000e+00 : f32
    %broadcast_in_dim3A_50 = vector.broadcast %broadcast_in_dim3A_49 : f32 to vector<16xf32>
    %scan3A_51 = arith.constant 0 : i32
    %scan3A_52 = arith.constant 256 : i32
    %scan3A_53 = arith.addi %scan3A_51, %scan3A_52 : i32
    %scan3A_54 = arith.constant 1 : i32
    %scan3A_55:2 = scf.for %scan3A_69 = %scan3A_51 to %scan3A_53 step %scan3A_54 iter_args(%scan3A_70 = %broadcast_in_dim3A_50, %scan3A_71 = %broadcast_in_dim3A_50) -> (vector<16xf32>, vector<16xf32>)  : i32 {
      %mul3A_72 = arith.constant 16 : i32
      %mul3A_73 = arith.muli %scan3A_69, %mul3A_72 : i32
      %mul3A_74 = arith.constant 4 : i32
      %mul3A_75 = arith.muli %mul3A_73, %mul3A_74 : i32
      %get3A = arith.index_cast %mul3A_75 : i32 to index
      %get3A_76 = tpu.vector_load %arg8[%get3A] {strides = array<i32>} : memref<16384xf32, #tpu.memory_space<vmem>>, vector<16xf32>,
      %get3A_77 = vector.shape_cast %get3A_76 : vector<16xf32> to vector<16xf32>
      %add3A_78 = arith.constant 16 : i32
      %add3A_79 = arith.addi %mul3A_75, %add3A_78 : i32
      %get3A_80 = arith.index_cast %add3A_79 : i32 to index
      %get3A_81 = tpu.vector_load %arg8[%get3A_80] {strides = array<i32>} : memref<16384xf32, #tpu.memory_space<vmem>>, vector<16xf32>,
      %get3A_82 = vector.shape_cast %get3A_81 : vector<16xf32> to vector<16xf32>
      %add3A_83 = arith.constant 32 : i32
      %add3A_84 = arith.addi %mul3A_75, %add3A_83 : i32
      %get3A_85 = arith.index_cast %add3A_84 : i32 to index
      %get3A_86 = tpu.vector_load %arg8[%get3A_85] {strides = array<i32>} : memref<16384xf32, #tpu.memory_space<vmem>>, vector<16xf32>,
      %get3A_87 = vector.shape_cast %get3A_86 : vector<16xf32> to vector<16xf32>
      %add3A_88 = arith.constant 48 : i32
      %add3A_89 = arith.addi %mul3A_75, %add3A_88 : i32
      %get3A_90 = arith.index_cast %add3A_89 : i32 to index
      %get3A_91 = tpu.vector_load %arg8[%get3A_90] {strides = array<i32>} : memref<16384xf32, #tpu.memory_space<vmem>>, vector<16xf32>,
      %get3A_92 = vector.shape_cast %get3A_91 : vector<16xf32> to vector<16xf32>
      %gather3A = vector.shape_cast %broadcast_in_dim3A_30 : vector<16x1xi32> to vector<16xi32>
      %gather3A_93 = tpu.dynamic_gather %get3A_77[%gather3A] in [0] : vector<16xf32>, vector<16xi32> -> vector<16xf32>
      %gather3A_94 = vector.shape_cast %broadcast_in_dim3A_30 : vector<16x1xi32> to vector<16xi32>
      %gather3A_95 = tpu.dynamic_gather %get3A_82[%gather3A_94] in [0] : vector<16xf32>, vector<16xi32> -> vector<16xf32>
      %gather3A_96 = vector.shape_cast %broadcast_in_dim3A_30 : vector<16x1xi32> to vector<16xi32>
      %gather3A_97 = tpu.dynamic_gather %get3A_87[%gather3A_96] in [0] : vector<16xf32>, vector<16xi32> -> vector<16xf32>
      %gather3A_98 = vector.shape_cast %broadcast_in_dim3A_30 : vector<16x1xi32> to vector<16xi32>
      %gather3A_99 = tpu.dynamic_gather %get3A_92[%gather3A_98] in [0] : vector<16xf32>, vector<16xi32> -> vector<16xf32>
      %select_n3A = arith.select %lt3A_21, %gather3A_97, %gather3A_99 : vector<16xi1>, vector<16xf32>
      %select_n3A_100 = arith.select %lt3A_18, %gather3A_95, %select_n3A : vector<16xi1>, vector<16xf32>
      %select_n3A_101 = arith.select %lt3A, %gather3A_93, %select_n3A_100 : vector<16xi1>, vector<16xf32>
      %gather3A_102 = vector.shape_cast %broadcast_in_dim3A_34 : vector<16x1xi32> to vector<16xi32>
      %gather3A_103 = tpu.dynamic_gather %get3A_77[%gather3A_102] in [0] : vector<16xf32>, vector<16xi32> -> vector<16xf32>
      %gather3A_104 = vector.shape_cast %broadcast_in_dim3A_34 : vector<16x1xi32> to vector<16xi32>
      %gather3A_105 = tpu.dynamic_gather %get3A_82[%gather3A_104] in [0] : vector<16xf32>, vector<16xi32> -> vector<16xf32>
      %gather3A_106 = vector.shape_cast %broadcast_in_dim3A_34 : vector<16x1xi32> to vector<16xi32>
      %gather3A_107 = tpu.dynamic_gather %get3A_87[%gather3A_106] in [0] : vector<16xf32>, vector<16xi32> -> vector<16xf32>
      %gather3A_108 = vector.shape_cast %broadcast_in_dim3A_34 : vector<16x1xi32> to vector<16xi32>
      %gather3A_109 = tpu.dynamic_gather %get3A_92[%gather3A_108] in [0] : vector<16xf32>, vector<16xi32> -> vector<16xf32>
      %select_n3A_110 = arith.select %lt3A_21, %gather3A_107, %gather3A_109 : vector<16xi1>, vector<16xf32>
      %select_n3A_111 = arith.select %lt3A_18, %gather3A_105, %select_n3A_110 : vector<16xi1>, vector<16xf32>
      %select_n3A_112 = arith.select %lt3A, %gather3A_103, %select_n3A_111 : vector<16xi1>, vector<16xf32>
      %gather3A_113 = vector.shape_cast %broadcast_in_dim3A_38 : vector<16x1xi32> to vector<16xi32>
      %gather3A_114 = tpu.dynamic_gather %get3A_77[%gather3A_113] in [0] : vector<16xf32>, vector<16xi32> -> vector<16xf32>
      %gather3A_115 = vector.shape_cast %broadcast_in_dim3A_38 : vector<16x1xi32> to vector<16xi32>
      %gather3A_116 = tpu.dynamic_gather %get3A_82[%gather3A_115] in [0] : vector<16xf32>, vector<16xi32> -> vector<16xf32>
      %gather3A_117 = vector.shape_cast %broadcast_in_dim3A_38 : vector<16x1xi32> to vector<16xi32>
      %gather3A_118 = tpu.dynamic_gather %get3A_87[%gather3A_117] in [0] : vector<16xf32>, vector<16xi32> -> vector<16xf32>
      %gather3A_119 = vector.shape_cast %broadcast_in_dim3A_38 : vector<16x1xi32> to vector<16xi32>
      %gather3A_120 = tpu.dynamic_gather %get3A_92[%gather3A_119] in [0] : vector<16xf32>, vector<16xi32> -> vector<16xf32>
      %select_n3A_121 = arith.select %lt3A_21, %gather3A_118, %gather3A_120 : vector<16xi1>, vector<16xf32>
      %select_n3A_122 = arith.select %lt3A_18, %gather3A_116, %select_n3A_121 : vector<16xi1>, vector<16xf32>
      %select_n3A_123 = arith.select %lt3A, %gather3A_114, %select_n3A_122 : vector<16xi1>, vector<16xf32>
      %gather3A_124 = vector.shape_cast %broadcast_in_dim3A_42 : vector<16x1xi32> to vector<16xi32>
      %gather3A_125 = tpu.dynamic_gather %get3A_77[%gather3A_124] in [0] : vector<16xf32>, vector<16xi32> -> vector<16xf32>
      %gather3A_126 = vector.shape_cast %broadcast_in_dim3A_42 : vector<16x1xi32> to vector<16xi32>
      %gather3A_127 = tpu.dynamic_gather %get3A_82[%gather3A_126] in [0] : vector<16xf32>, vector<16xi32> -> vector<16xf32>
      %gather3A_128 = vector.shape_cast %broadcast_in_dim3A_42 : vector<16x1xi32> to vector<16xi32>
      %gather3A_129 = tpu.dynamic_gather %get3A_87[%gather3A_128] in [0] : vector<16xf32>, vector<16xi32> -> vector<16xf32>
      %gather3A_130 = vector.shape_cast %broadcast_in_dim3A_42 : vector<16x1xi32> to vector<16xi32>
      %gather3A_131 = tpu.dynamic_gather %get3A_92[%gather3A_130] in [0] : vector<16xf32>, vector<16xi32> -> vector<16xf32>
      %select_n3A_132 = arith.select %lt3A_21, %gather3A_129, %gather3A_131 : vector<16xi1>, vector<16xf32>
      %select_n3A_133 = arith.select %lt3A_18, %gather3A_127, %select_n3A_132 : vector<16xi1>, vector<16xf32>
      %select_n3A_134 = arith.select %lt3A, %gather3A_125, %select_n3A_133 : vector<16xi1>, vector<16xf32>
      %mul3A_135 = arith.constant 4 : i32
      %mul3A_136 = arith.muli %mul3A_73, %mul3A_135 : i32
      %get3A_137 = arith.index_cast %mul3A_136 : i32 to index
      %get3A_138 = tpu.vector_load %arg9[%get3A_137] {strides = array<i32>} : memref<16384xf32, #tpu.memory_space<vmem>>, vector<16xf32>,
      %get3A_139 = vector.shape_cast %get3A_138 : vector<16xf32> to vector<16xf32>
      %add3A_140 = arith.constant 16 : i32
      %add3A_141 = arith.addi %mul3A_136, %add3A_140 : i32
      %get3A_142 = arith.index_cast %add3A_141 : i32 to index
      %get3A_143 = tpu.vector_load %arg9[%get3A_142] {strides = array<i32>} : memref<16384xf32, #tpu.memory_space<vmem>>, vector<16xf32>,
      %get3A_144 = vector.shape_cast %get3A_143 : vector<16xf32> to vector<16xf32>
      %add3A_145 = arith.constant 32 : i32
      %add3A_146 = arith.addi %mul3A_136, %add3A_145 : i32
      %get3A_147 = arith.index_cast %add3A_146 : i32 to index
      %get3A_148 = tpu.vector_load %arg9[%get3A_147] {strides = array<i32>} : memref<16384xf32, #tpu.memory_space<vmem>>, vector<16xf32>,
      %get3A_149 = vector.shape_cast %get3A_148 : vector<16xf32> to vector<16xf32>
      %add3A_150 = arith.constant 48 : i32
      %add3A_151 = arith.addi %mul3A_136, %add3A_150 : i32
      %get3A_152 = arith.index_cast %add3A_151 : i32 to index
      %get3A_153 = tpu.vector_load %arg9[%get3A_152] {strides = array<i32>} : memref<16384xf32, #tpu.memory_space<vmem>>, vector<16xf32>,
      %get3A_154 = vector.shape_cast %get3A_153 : vector<16xf32> to vector<16xf32>
      %gather3A_155 = vector.shape_cast %broadcast_in_dim3A_30 : vector<16x1xi32> to vector<16xi32>
      %gather3A_156 = tpu.dynamic_gather %get3A_139[%gather3A_155] in [0] : vector<16xf32>, vector<16xi32> -> vector<16xf32>
      %gather3A_157 = vector.shape_cast %broadcast_in_dim3A_30 : vector<16x1xi32> to vector<16xi32>
      %gather3A_158 = tpu.dynamic_gather %get3A_144[%gather3A_157] in [0] : vector<16xf32>, vector<16xi32> -> vector<16xf32>
      %gather3A_159 = vector.shape_cast %broadcast_in_dim3A_30 : vector<16x1xi32> to vector<16xi32>
      %gather3A_160 = tpu.dynamic_gather %get3A_149[%gather3A_159] in [0] : vector<16xf32>, vector<16xi32> -> vector<16xf32>
      %gather3A_161 = vector.shape_cast %broadcast_in_dim3A_30 : vector<16x1xi32> to vector<16xi32>
      %gather3A_162 = tpu.dynamic_gather %get3A_154[%gather3A_161] in [0] : vector<16xf32>, vector<16xi32> -> vector<16xf32>
      %select_n3A_163 = arith.select %lt3A_21, %gather3A_160, %gather3A_162 : vector<16xi1>, vector<16xf32>
      %select_n3A_164 = arith.select %lt3A_18, %gather3A_158, %select_n3A_163 : vector<16xi1>, vector<16xf32>
      %select_n3A_165 = arith.select %lt3A, %gather3A_156, %select_n3A_164 : vector<16xi1>, vector<16xf32>
      %gather3A_166 = vector.shape_cast %broadcast_in_dim3A_34 : vector<16x1xi32> to vector<16xi32>
      %gather3A_167 = tpu.dynamic_gather %get3A_139[%gather3A_166] in [0] : vector<16xf32>, vector<16xi32> -> vector<16xf32>
      %gather3A_168 = vector.shape_cast %broadcast_in_dim3A_34 : vector<16x1xi32> to vector<16xi32>
      %gather3A_169 = tpu.dynamic_gather %get3A_144[%gather3A_168] in [0] : vector<16xf32>, vector<16xi32> -> vector<16xf32>
      %gather3A_170 = vector.shape_cast %broadcast_in_dim3A_34 : vector<16x1xi32> to vector<16xi32>
      %gather3A_171 = tpu.dynamic_gather %get3A_149[%gather3A_170] in [0] : vector<16xf32>, vector<16xi32> -> vector<16xf32>
      %gather3A_172 = vector.shape_cast %broadcast_in_dim3A_34 : vector<16x1xi32> to vector<16xi32>
      %gather3A_173 = tpu.dynamic_gather %get3A_154[%gather3A_172] in [0] : vector<16xf32>, vector<16xi32> -> vector<16xf32>
      %select_n3A_174 = arith.select %lt3A_21, %gather3A_171, %gather3A_173 : vector<16xi1>, vector<16xf32>
      %select_n3A_175 = arith.select %lt3A_18, %gather3A_169, %select_n3A_174 : vector<16xi1>, vector<16xf32>
      %select_n3A_176 = arith.select %lt3A, %gather3A_167, %select_n3A_175 : vector<16xi1>, vector<16xf32>
      %gather3A_177 = vector.shape_cast %broadcast_in_dim3A_38 : vector<16x1xi32> to vector<16xi32>
      %gather3A_178 = tpu.dynamic_gather %get3A_139[%gather3A_177] in [0] : vector<16xf32>, vector<16xi32> -> vector<16xf32>
      %gather3A_179 = vector.shape_cast %broadcast_in_dim3A_38 : vector<16x1xi32> to vector<16xi32>
      %gather3A_180 = tpu.dynamic_gather %get3A_144[%gather3A_179] in [0] : vector<16xf32>, vector<16xi32> -> vector<16xf32>
      %gather3A_181 = vector.shape_cast %broadcast_in_dim3A_38 : vector<16x1xi32> to vector<16xi32>
      %gather3A_182 = tpu.dynamic_gather %get3A_149[%gather3A_181] in [0] : vector<16xf32>, vector<16xi32> -> vector<16xf32>
      %gather3A_183 = vector.shape_cast %broadcast_in_dim3A_38 : vector<16x1xi32> to vector<16xi32>
      %gather3A_184 = tpu.dynamic_gather %get3A_154[%gather3A_183] in [0] : vector<16xf32>, vector<16xi32> -> vector<16xf32>
      %select_n3A_185 = arith.select %lt3A_21, %gather3A_182, %gather3A_184 : vector<16xi1>, vector<16xf32>
      %select_n3A_186 = arith.select %lt3A_18, %gather3A_180, %select_n3A_185 : vector<16xi1>, vector<16xf32>
      %select_n3A_187 = arith.select %lt3A, %gather3A_178, %select_n3A_186 : vector<16xi1>, vector<16xf32>
      %gather3A_188 = vector.shape_cast %broadcast_in_dim3A_42 : vector<16x1xi32> to vector<16xi32>
      %gather3A_189 = tpu.dynamic_gather %get3A_139[%gather3A_188] in [0] : vector<16xf32>, vector<16xi32> -> vector<16xf32>
      %gather3A_190 = vector.shape_cast %broadcast_in_dim3A_42 : vector<16x1xi32> to vector<16xi32>
      %gather3A_191 = tpu.dynamic_gather %get3A_144[%gather3A_190] in [0] : vector<16xf32>, vector<16xi32> -> vector<16xf32>
      %gather3A_192 = vector.shape_cast %broadcast_in_dim3A_42 : vector<16x1xi32> to vector<16xi32>
      %gather3A_193 = tpu.dynamic_gather %get3A_149[%gather3A_192] in [0] : vector<16xf32>, vector<16xi32> -> vector<16xf32>
      %gather3A_194 = vector.shape_cast %broadcast_in_dim3A_42 : vector<16x1xi32> to vector<16xi32>
      %gather3A_195 = tpu.dynamic_gather %get3A_154[%gather3A_194] in [0] : vector<16xf32>, vector<16xi32> -> vector<16xf32>
      %select_n3A_196 = arith.select %lt3A_21, %gather3A_193, %gather3A_195 : vector<16xi1>, vector<16xf32>
      %select_n3A_197 = arith.select %lt3A_18, %gather3A_191, %select_n3A_196 : vector<16xi1>, vector<16xf32>
      %select_n3A_198 = arith.select %lt3A, %gather3A_189, %select_n3A_197 : vector<16xi1>, vector<16xf32>
      %get3A_199 = arith.index_cast %mul3A_73 : i32 to index
      %get3A_200 = tpu.vector_load %arg10[%get3A_199] {strides = array<i32>} : memref<4096xi32, #tpu.memory_space<vmem>>, vector<16xi32>,
      %get3A_201 = vector.shape_cast %get3A_200 : vector<16xi32> to vector<16xi32>
      %ne3A = arith.cmpi ne, %get3A_201, %broadcast_in_dim3A_7 : vector<16xi32>
      %sub3A = arith.subf %select_n3A_123, %select_n3A_101 : vector<16xf32>
      %sub3A_202 = arith.subf %select_n3A_134, %select_n3A_112 : vector<16xf32>
      %mul3A_203 = arith.mulf %sub3A, %sub3A_202 : vector<16xf32>
      %sub3A_204 = arith.subf %select_n3A_187, %select_n3A_165 : vector<16xf32>
      %sub3A_205 = arith.subf %select_n3A_198, %select_n3A_176 : vector<16xf32>
      %mul3A_206 = arith.mulf %sub3A_204, %sub3A_205 : vector<16xf32>
      %min3A = arith.minimumf %select_n3A_123, %select_n3A_187 : vector<16xf32>
      %max3A = arith.maximumf %select_n3A_101, %select_n3A_165 : vector<16xf32>
      %sub3A_207 = arith.subf %min3A, %max3A : vector<16xf32>
      %max3A_208 = arith.maximumf %sub3A_207, %broadcast_in_dim3A_11 : vector<16xf32>
      %min3A_209 = arith.minimumf %select_n3A_134, %select_n3A_198 : vector<16xf32>
      %max3A_210 = arith.maximumf %select_n3A_112, %select_n3A_176 : vector<16xf32>
      %sub3A_211 = arith.subf %min3A_209, %max3A_210 : vector<16xf32>
      %max3A_212 = arith.maximumf %sub3A_211, %broadcast_in_dim3A_11 : vector<16xf32>
      %mul3A_213 = arith.mulf %max3A_208, %max3A_212 : vector<16xf32>
      %add3A_214 = arith.addf %mul3A_203, %mul3A_206 : vector<16xf32>
      %sub3A_215 = arith.subf %add3A_214, %mul3A_213 : vector<16xf32>
      %div3A = arith.divf %mul3A_213, %sub3A_215 : vector<16xf32>
      %max3A_216 = arith.maximumf %select_n3A_123, %select_n3A_187 : vector<16xf32>
      %min3A_217 = arith.minimumf %select_n3A_101, %select_n3A_165 : vector<16xf32>
      %sub3A_218 = arith.subf %max3A_216, %min3A_217 : vector<16xf32>
      %max3A_219 = arith.maximumf %select_n3A_134, %select_n3A_198 : vector<16xf32>
      %min3A_220 = arith.minimumf %select_n3A_112, %select_n3A_176 : vector<16xf32>
      %sub3A_221 = arith.subf %max3A_219, %min3A_220 : vector<16xf32>
      %max3A_222 = arith.maximumf %sub3A_218, %broadcast_in_dim3A_11 : vector<16xf32>
      %max3A_223 = arith.maximumf %sub3A_221, %broadcast_in_dim3A_11 : vector<16xf32>
      %mul3A_224 = arith.mulf %max3A_222, %max3A_223 : vector<16xf32>
      %sub3A_225 = arith.subf %mul3A_224, %sub3A_215 : vector<16xf32>
      %div3A_226 = arith.divf %sub3A_225, %mul3A_224 : vector<16xf32>
      %sub3A_227 = arith.subf %div3A, %div3A_226 : vector<16xf32>
      %sub3A_228 = arith.subf %broadcast_in_dim3A_13, %sub3A_227 : vector<16xf32>
      %select_n3A_229 = arith.select %ne3A, %sub3A_228, %broadcast_in_dim3A_11 : vector<16xi1>, vector<16xf32>
      %add3A_230 = arith.addf %scan3A_70, %select_n3A_229 : vector<16xf32>
      %select_n3A_231 = arith.select %ne3A, %broadcast_in_dim3A_13, %broadcast_in_dim3A_11 : vector<16xi1>, vector<16xf32>
      %add3A_232 = arith.addf %scan3A_71, %select_n3A_231 : vector<16xf32>
      scf.yield %add3A_230, %add3A_232 : vector<16xf32>, vector<16xf32>
    }
    %scan3A_56 = arith.constant 256 : i32
    %swap3A = arith.constant 0 : i32
    %swap3A_57 = arith.index_cast %swap3A : i32 to index
    %swap3A_58 = arith.constant 0 : index
    %swap3A_59 = tpu.vector_load %arg13[%swap3A_57, %swap3A_58] {strides = array<i32>} : memref<2x16xf32, #tpu.memory_space<vmem>>, vector<1x16xf32>,
    %swap3A_60 = vector.shape_cast %swap3A_59 : vector<1x16xf32> to vector<16xf32>
    %swap3A_61 = vector.shape_cast %scan3A_55#0 : vector<16xf32> to vector<1x16xf32>
    tpu.vector_store %arg13[%swap3A_57, %swap3A_58], %swap3A_61 {strides = array<i32>} : memref<2x16xf32, #tpu.memory_space<vmem>>, vector<1x16xf32>,
    %swap3A_62 = arith.constant 1 : i32
    %swap3A_63 = arith.index_cast %swap3A_62 : i32 to index
    %swap3A_64 = arith.constant 0 : index
    %swap3A_65 = tpu.vector_load %arg13[%swap3A_63, %swap3A_64] {strides = array<i32>} : memref<2x16xf32, #tpu.memory_space<vmem>>, vector<1x16xf32>,
    %swap3A_66 = vector.shape_cast %swap3A_65 : vector<1x16xf32> to vector<16xf32>
    %swap3A_67 = vector.shape_cast %scan3A_55#1 : vector<16xf32> to vector<1x16xf32>
    tpu.vector_store %arg13[%swap3A_63, %swap3A_64], %swap3A_67 {strides = array<i32>} : memref<2x16xf32, #tpu.memory_space<vmem>>, vector<1x16xf32>,
    "tpu.region"() ({
      %run_scoped3A = tpu.sem_alloc : memref<!tpu.dma_semaphore, #tpu.memory_space<semaphore_mem>>
      %dma_start3A_69 = arith.constant 0 : i32
      %dma_start3A_70 = arith.constant 0 : i32
      %dma_start3A_71 = tpu.memref_slice %arg6[%add3A, %dma_start3A_69, %dma_start3A_70] : memref<32x2x16xf32, #tpu.memory_space<hbm>> -> memref<1x2x16xf32, #tpu.memory_space<hbm>>
      %dma_start3A_72 = tpu.memref_squeeze %dma_start3A_71 : memref<1x2x16xf32, #tpu.memory_space<hbm>> -> memref<2x16xf32, #tpu.memory_space<hbm>>
      %dma_start3A_73 = arith.constant 0 : i32
      %dma_start3A_74 = arith.constant 0 : i32
      %dma_start3A_75 = tpu.memref_slice %arg6[%add3A, %dma_start3A_73, %dma_start3A_74] : memref<32x2x16xf32, #tpu.memory_space<hbm>> -> memref<1x2x16xf32, #tpu.memory_space<hbm>>
      %dma_start3A_76 = tpu.memref_squeeze %dma_start3A_75 : memref<1x2x16xf32, #tpu.memory_space<hbm>> -> memref<2x16xf32, #tpu.memory_space<hbm>>
      tpu.enqueue_dma source(%arg13 : memref<2x16xf32, #tpu.memory_space<vmem>>) target(%dma_start3A_76 : memref<2x16xf32, #tpu.memory_space<hbm>>) target_semaphore(%run_scoped3A : memref<!tpu.dma_semaphore, #tpu.memory_space<semaphore_mem>>)
      %dma_wait3A_77 = arith.constant 0 : i32
      %dma_wait3A_78 = arith.constant 0 : i32
      %dma_wait3A_79 = tpu.memref_slice %arg6[%add3A, %dma_wait3A_77, %dma_wait3A_78] : memref<32x2x16xf32, #tpu.memory_space<hbm>> -> memref<1x2x16xf32, #tpu.memory_space<hbm>>
      %dma_wait3A_80 = tpu.memref_squeeze %dma_wait3A_79 : memref<1x2x16xf32, #tpu.memory_space<hbm>> -> memref<2x16xf32, #tpu.memory_space<hbm>>
      %dma_wait3A_81 = arith.constant 0 : i32
      %dma_wait3A_82 = arith.constant 0 : i32
      %dma_wait3A_83 = tpu.memref_slice %arg6[%add3A, %dma_wait3A_81, %dma_wait3A_82] : memref<32x2x16xf32, #tpu.memory_space<hbm>> -> memref<1x2x16xf32, #tpu.memory_space<hbm>>
      %dma_wait3A_84 = tpu.memref_squeeze %dma_wait3A_83 : memref<1x2x16xf32, #tpu.memory_space<hbm>> -> memref<2x16xf32, #tpu.memory_space<hbm>>
      tpu.wait_dma2 semaphore(%run_scoped3A : memref<!tpu.dma_semaphore, #tpu.memory_space<semaphore_mem>>) src(%arg13 : memref<2x16xf32, #tpu.memory_space<vmem>>) dst(%dma_wait3A_84 : memref<2x16xf32, #tpu.memory_space<hbm>>)
      tpu.yield
    }) : () -> ()
    %dma_wait3A = arith.constant 0 : i32
    %dma_wait3A_68 = tpu.memref_slice %arg2[%dma_wait3A] : memref<10485760xf32, #tpu.memory_space<hbm>> -> memref<10485760xf32, #tpu.memory_space<hbm>>
    tpu.wait_indirect_dma semaphore(%arg14 : memref<!tpu.dma_semaphore, #tpu.memory_space<semaphore_mem>>) src(%dma_wait3A_68 : memref<10485760xf32, #tpu.memory_space<hbm>>) dst(%arg12 : memref<4096xf32, #tpu.memory_space<vmem>>)
    "tpu.region"() ({
      %run_scoped3A = tpu.sem_alloc : memref<!tpu.dma_semaphore, #tpu.memory_space<semaphore_mem>>
      %dma_start3A_69 = tpu.memref_slice %arg7[%mul3A_2] : memref<131072xf32, #tpu.memory_space<hbm>> -> memref<4096xf32, #tpu.memory_space<hbm>>
      %dma_start3A_70 = tpu.memref_slice %arg7[%mul3A_2] : memref<131072xf32, #tpu.memory_space<hbm>> -> memref<4096xf32, #tpu.memory_space<hbm>>
      tpu.enqueue_dma source(%arg12 : memref<4096xf32, #tpu.memory_space<vmem>>) target(%dma_start3A_70 : memref<4096xf32, #tpu.memory_space<hbm>>) target_semaphore(%run_scoped3A : memref<!tpu.dma_semaphore, #tpu.memory_space<semaphore_mem>>)
      %dma_wait3A_71 = tpu.memref_slice %arg7[%mul3A_2] : memref<131072xf32, #tpu.memory_space<hbm>> -> memref<4096xf32, #tpu.memory_space<hbm>>
      %dma_wait3A_72 = tpu.memref_slice %arg7[%mul3A_2] : memref<131072xf32, #tpu.memory_space<hbm>> -> memref<4096xf32, #tpu.memory_space<hbm>>
      tpu.wait_dma2 semaphore(%run_scoped3A : memref<!tpu.dma_semaphore, #tpu.memory_space<semaphore_mem>>) src(%arg12 : memref<4096xf32, #tpu.memory_space<vmem>>) dst(%dma_wait3A_72 : memref<4096xf32, #tpu.memory_space<hbm>>)
      tpu.yield
    }) : () -> ()
    return
  }
}

module attributes {stable_mosaic.version = 14 : i64} {
  func.func @_dense_body(%arg0: i32, %arg1: memref<1024x1024xf32, #tpu.memory_space<vmem>>, %arg2: memref<1x1xf32, #tpu.memory_space<smem>>) attributes {dimension_semantics = [#tpu.dimension_semantics<arbitrary>], iteration_bounds = array<i64: 10>, scalar_prefetch = 0 : i64, scratch_operands = 0 : i64, tpu.core_type = #tpu.core_type<tc>, window_params = [{transform_indices = @transform_0, window_bounds = array<i64: 1024, 1024>}, {transform_indices = @transform_1, window_bounds = array<i64: 1, 1>}]} {
    %eq3A = arith.constant 0 : i32
    %eq3A_0 = arith.cmpi eq, %arg0, %eq3A : i32
    %convert_element_type3A = arith.extui %eq3A_0 : i1 to i32
    %cond3A = arith.constant 0 : i32
    %cond3A_1 = arith.cmpi ne, %convert_element_type3A, %cond3A : i32
    scf.if %cond3A_1 {
      %swap3A_30 = arith.constant 0.000000e+00 : f32
      %swap3A_31 = arith.constant 0 : index
      %swap3A_32 = arith.constant 0 : index
      %swap3A_33 = memref.load %arg2[%swap3A_31, %swap3A_32] : memref<1x1xf32, #tpu.memory_space<smem>>
      memref.store %swap3A_30, %arg2[%swap3A_31, %swap3A_32] : memref<1x1xf32, #tpu.memory_space<smem>>
    } else {
    }
    %get3A = arith.constant 0 : index
    %get3A_2 = arith.constant 0 : index
    %get3A_3 = memref.load %arg2[%get3A, %get3A_2] : memref<1x1xf32, #tpu.memory_space<smem>>
    %get3A_4 = arith.constant 0 : index
    %get3A_5 = arith.constant 0 : index
    %get3A_6 = vector.load %arg1[%get3A_4, %get3A_5] : memref<1024x1024xf32, #tpu.memory_space<vmem>>, vector<1024x1024xf32>
    %abs3A = math.absf %get3A_6 : vector<1024x1024xf32>
    %neg3A = arith.constant 0.000000e+00 : f32
    %neg3A_7 = vector.broadcast %neg3A : f32 to vector<1024x1024xf32>
    %neg3A_8 = arith.subf %neg3A_7, %abs3A : vector<1024x1024xf32>
    %exp3A = math.exp %neg3A_8 : vector<1024x1024xf32>
    %log1p3A = math.log1p %exp3A : vector<1024x1024xf32>
    %add3A = arith.constant 1.000000e+00 : f32
    %add3A_9 = vector.broadcast %add3A : f32 to vector<1024x1024xf32>
    %add3A_10 = arith.addf %add3A_9, %exp3A : vector<1024x1024xf32>
    %div3A = arith.constant 1.000000e+00 : f32
    %div3A_11 = vector.broadcast %div3A : f32 to vector<1024x1024xf32>
    %div3A_12 = arith.divf %div3A_11, %add3A_10 : vector<1024x1024xf32>
    %ge3A = arith.constant 0.000000e+00 : f32
    %ge3A_13 = vector.broadcast %ge3A : f32 to vector<1024x1024xf32>
    %ge3A_14 = arith.cmpf oge, %get3A_6, %ge3A_13 : vector<1024x1024xf32>
    %mul3A = arith.mulf %exp3A, %div3A_12 : vector<1024x1024xf32>
    %select_n3A = arith.select %ge3A_14, %div3A_12, %mul3A : vector<1024x1024xi1>, vector<1024x1024xf32>
    %max3A = arith.constant 0.000000e+00 : f32
    %max3A_15 = vector.broadcast %max3A : f32 to vector<1024x1024xf32>
    %max3A_16 = arith.maximumf %get3A_6, %max3A_15 : vector<1024x1024xf32>
    %add3A_17 = arith.addf %max3A_16, %log1p3A : vector<1024x1024xf32>
    %mul3A_18 = arith.mulf %select_n3A, %select_n3A : vector<1024x1024xf32>
    %mul3A_19 = arith.constant 7.500000e-01 : f32
    %mul3A_20 = vector.broadcast %mul3A_19 : f32 to vector<1024x1024xf32>
    %mul3A_21 = arith.mulf %mul3A_20, %mul3A_18 : vector<1024x1024xf32>
    %mul3A_22 = arith.mulf %mul3A_21, %add3A_17 : vector<1024x1024xf32>
    %reduce_sum3A = vector.shape_cast %mul3A_22 : vector<1024x1024xf32> to vector<1x1024x1024xf32>
    %reduce_sum3A_23 = arith.constant dense<0.000000e+00> : vector<1xf32>
    %reduce_sum3A_24 = vector.multi_reduction <add>, %reduce_sum3A, %reduce_sum3A_23 [1, 2] : vector<1x1024x1024xf32> to vector<1xf32>
    %reduce_sum3A_25 = vector.shape_cast %reduce_sum3A_24 : vector<1xf32> to vector<1x1x1xf32>
    %reduce_sum3A_26 = vector.extract %reduce_sum3A_25[0, 0, 0] : f32 from vector<1x1x1xf32>
    %add3A_27 = arith.addf %get3A_3, %reduce_sum3A_26 : f32
    %swap3A = arith.constant 0 : index
    %swap3A_28 = arith.constant 0 : index
    %swap3A_29 = memref.load %arg2[%swap3A, %swap3A_28] : memref<1x1xf32, #tpu.memory_space<smem>>
    memref.store %add3A_27, %arg2[%swap3A, %swap3A_28] : memref<1x1xf32, #tpu.memory_space<smem>>
    return
  }
  func.func @transform_0(%arg0: i32) -> (i32, i32) {
    %c0_i32 = arith.constant 0 : i32
    %c0_i32_0 = arith.constant 0 : i32
    return %arg0, %c0_i32 : i32, i32
  }
  func.func @transform_1(%arg0: i32) -> (i32, i32) {
    %c0_i32 = arith.constant 0 : i32
    %c0_i32_0 = arith.constant 0 : i32
    %c0_i32_1 = arith.constant 0 : i32
    return %c0_i32, %c0_i32_0 : i32, i32
  }
}

module attributes {stable_mosaic.version = 14 : i64} {
  func.func @_corr_body(%arg0: memref<128x1024xf32, #tpu.memory_space<vmem>>, %arg1: memref<128x1024xi32, #tpu.memory_space<vmem>>, %arg2: memref<1x1xf32, #tpu.memory_space<smem>>) attributes {dimension_semantics = [], scalar_prefetch = 0 : i64, scratch_operands = 0 : i64, tpu.core_type = #tpu.core_type<tc>} {
    %get3A = arith.constant 0 : index
    %get3A_0 = arith.constant 0 : index
    %get3A_1 = vector.load %arg0[%get3A, %get3A_0] : memref<128x1024xf32, #tpu.memory_space<vmem>>, vector<128x1024xf32>
    %get3A_2 = arith.constant 0 : index
    %get3A_3 = arith.constant 0 : index
    %get3A_4 = vector.load %arg1[%get3A_2, %get3A_3] : memref<128x1024xi32, #tpu.memory_space<vmem>>, vector<128x1024xi32>
    %ne3A = arith.constant 80 : i32
    %ne3A_5 = vector.broadcast %ne3A : i32 to vector<128x1024xi32>
    %ne3A_6 = arith.cmpi ne, %get3A_4, %ne3A_5 : vector<128x1024xi32>
    %abs3A = math.absf %get3A_1 : vector<128x1024xf32>
    %neg3A = arith.constant 0.000000e+00 : f32
    %neg3A_7 = vector.broadcast %neg3A : f32 to vector<128x1024xf32>
    %neg3A_8 = arith.subf %neg3A_7, %abs3A : vector<128x1024xf32>
    %exp3A = math.exp %neg3A_8 : vector<128x1024xf32>
    %log1p3A = math.log1p %exp3A : vector<128x1024xf32>
    %add3A = arith.constant 1.000000e+00 : f32
    %add3A_9 = vector.broadcast %add3A : f32 to vector<128x1024xf32>
    %add3A_10 = arith.addf %add3A_9, %exp3A : vector<128x1024xf32>
    %div3A = arith.constant 1.000000e+00 : f32
    %div3A_11 = vector.broadcast %div3A : f32 to vector<128x1024xf32>
    %div3A_12 = arith.divf %div3A_11, %add3A_10 : vector<128x1024xf32>
    %ge3A = arith.constant 0.000000e+00 : f32
    %ge3A_13 = vector.broadcast %ge3A : f32 to vector<128x1024xf32>
    %ge3A_14 = arith.cmpf oge, %get3A_1, %ge3A_13 : vector<128x1024xf32>
    %mul3A = arith.mulf %exp3A, %div3A_12 : vector<128x1024xf32>
    %select_n3A = arith.select %ge3A_14, %div3A_12, %mul3A : vector<128x1024xi1>, vector<128x1024xf32>
    %sub3A = arith.constant 1.000000e+00 : f32
    %sub3A_15 = vector.broadcast %sub3A : f32 to vector<128x1024xf32>
    %sub3A_16 = arith.subf %sub3A_15, %select_n3A : vector<128x1024xf32>
    %mul3A_17 = arith.mulf %select_n3A, %select_n3A : vector<128x1024xf32>
    %mul3A_18 = arith.constant 7.500000e-01 : f32
    %mul3A_19 = vector.broadcast %mul3A_18 : f32 to vector<128x1024xf32>
    %mul3A_20 = arith.mulf %mul3A_19, %mul3A_17 : vector<128x1024xf32>
    %max3A = arith.constant 0.000000e+00 : f32
    %max3A_21 = vector.broadcast %max3A : f32 to vector<128x1024xf32>
    %max3A_22 = arith.maximumf %get3A_1, %max3A_21 : vector<128x1024xf32>
    %add3A_23 = arith.addf %max3A_22, %log1p3A : vector<128x1024xf32>
    %mul3A_24 = arith.mulf %mul3A_20, %add3A_23 : vector<128x1024xf32>
    %mul3A_25 = arith.mulf %sub3A_16, %sub3A_16 : vector<128x1024xf32>
    %mul3A_26 = arith.constant 2.500000e-01 : f32
    %mul3A_27 = vector.broadcast %mul3A_26 : f32 to vector<128x1024xf32>
    %mul3A_28 = arith.mulf %mul3A_27, %mul3A_25 : vector<128x1024xf32>
    %neg3A_29 = arith.constant 0.000000e+00 : f32
    %neg3A_30 = vector.broadcast %neg3A_29 : f32 to vector<128x1024xf32>
    %neg3A_31 = arith.subf %neg3A_30, %get3A_1 : vector<128x1024xf32>
    %max3A_32 = arith.constant 0.000000e+00 : f32
    %max3A_33 = vector.broadcast %max3A_32 : f32 to vector<128x1024xf32>
    %max3A_34 = arith.maximumf %neg3A_31, %max3A_33 : vector<128x1024xf32>
    %add3A_35 = arith.addf %max3A_34, %log1p3A : vector<128x1024xf32>
    %mul3A_36 = arith.mulf %mul3A_28, %add3A_35 : vector<128x1024xf32>
    %sub3A_37 = arith.subf %mul3A_36, %mul3A_24 : vector<128x1024xf32>
    %jit3A = arith.constant 0.000000e+00 : f32
    %broadcast_in_dim3A = vector.broadcast %jit3A : f32 to vector<128x1024xf32>
    %select_n3A_38 = arith.select %ne3A_6, %sub3A_37, %broadcast_in_dim3A : vector<128x1024xi1>, vector<128x1024xf32>
    %reduce_sum3A = vector.shape_cast %select_n3A_38 : vector<128x1024xf32> to vector<1x128x1024xf32>
    %reduce_sum3A_39 = arith.constant dense<0.000000e+00> : vector<1xf32>
    %reduce_sum3A_40 = vector.multi_reduction <add>, %reduce_sum3A, %reduce_sum3A_39 [1, 2] : vector<1x128x1024xf32> to vector<1xf32>
    %reduce_sum3A_41 = vector.shape_cast %reduce_sum3A_40 : vector<1xf32> to vector<1x1x1xf32>
    %reduce_sum3A_42 = vector.extract %reduce_sum3A_41[0, 0, 0] : f32 from vector<1x1x1xf32>
    %swap3A = arith.constant 0 : index
    %swap3A_43 = arith.constant 0 : index
    %swap3A_44 = memref.load %arg2[%swap3A, %swap3A_43] : memref<1x1xf32, #tpu.memory_space<smem>>
    memref.store %reduce_sum3A_42, %arg2[%swap3A, %swap3A_43] : memref<1x1xf32, #tpu.memory_space<smem>>
    return
  }
}

</mosaic_0001>

<sc_bundles>
// kernel: kernel.5.cloned.1.call-start
scs
__scs_entry_jumppad:
0x0: {  	(pc) =	sbr.rel $0x88, $3  }
0x1: {  	(tag) =	ssettag $0x0;
	lr =	simm.s32 $0x1  }
0x2: {  	[smem:$0x3F9D] =	sst lr;
	_ =	strace $0xD0000000  }
0x3: {  	_ = 	snop  }
0x4: {  	_ = 	snop  }
0x5: {  	_ = 	snop  }
0x6: {  	_ = 	snop  }
0x7: {  	_ = 	snop  }
__scs_overlays_trampoline_lowered:
0x8: {  	[smem:$0x3FAC] =	sst s0  }
0x9: {  	[smem:$0x3FAD] =	sst s1  }
0xa: {  	[smem:$0x3FAE] =	sst s2  }
0xb: {  	[smem:$0x3FAF] =	sst s3  }
0xc: {  	[smem:$0x3FB0] =	sst s4  }
0xd: {  	[smem:$0x3FB1] =	sst s5  }
0xe: {  	[smem:$0x3FB2] =	sst s6  }
0xf: {  	[smem:$0x3FB3] =	sst s7  }
0x10: {  	[smem:$0x3FB4] =	sst s8  }
0x11: {  	[smem:$0x3FB5] =	sst s9;
	s0 =	simm.s32 @!p0 $0x0  }
0x12: {  	s1 =	sld [smem:$0x3F9B];
	s0 =	simm.s32 @p0 $0x1  }
0x13: {  	[smem:$0x3FB6] =	sst s0;
	s0 =	simm.s32 @!p1 $0x0  }
0x14: {  	s2 =	sld [smem:$0x3F9A];
	s0 =	simm.s32 @p1 $0x1  }
0x15: {  	[smem:$0x3FB7] =	sst s0;
	s0 =	simm.s32 @!p2 $0x0  }
0x16: {  	s3 =	sld [smem:$0x3FDB];
	s0 =	simm.s32 @p2 $0x1  }
0x17: {  	s4 =	simm.s32 $0x1BF5;
	[smem:$0x3FB9] =	sst s0  }
0x18: {  	s0 =	sld [smem:$0x3F9C];
	_ =	swait.ge [sflag:s4], $0x0  }
0x19: {  	s7 =	sld [smem:$0x3F9D]  }
0x1a: {  	s8 =	sadd.s32 $0xFFFFE003, lr  }
0x1b: {  	s9 =	sadd.s32 $0xFFFFFEF7, lr;
	s5 =	simm.s32 $0xFFFFFFFF;
	p2 =	slt.u32 s8, $0xFFFFF086  }
0x1c: {  	p1 =	slt.u32 s9, $0xF7A;
	s5 =	simm.s32 @!p2 $0x0  }
0x1d: {  	s5 =	simm.s32 @p1 $0x1;
	p0 =	seq.s32 s7, s2  }
0x1e: {  	s7 =	smul.u32 @!p0 $0xF7A, s2;
	p2 =	seq.s32 @!p0 s5, $0x0  }
0x1f: {  	s9 =	smul.u32 $0xF7A, s1;
	s8 =	simm.s32 @!p0 $0x1BF5;
	p2 =	por !p2, p0  }
0x20: {  	[sflag:s8] =	ssyncset.s32 @!p0 $0xFFFFF086;
	s6 =	sadd.s32 @!p0 s3, s7;
	s7 =	simm.s32 @!p0 $0x108  }
0x21: {  	s3 =	sadd.s32 s3, s9;
	s6 =	sadd.s32 @!p0 $0x88, s6;
	s7 =	simm.s32 @p2 $0x1082  }
0x22: {  	[simem:s7], [sflag:s8] =	dma.local @!p0 [hbm:s6], $0xF7A  }
0x23: {  	s9 =	sor.u32 $0xD0000000, s2;
	s6 =	simm.s32 $0x108;
	_ =	swait.ge @!p0 [sflag:s8], $0x0  }
0x24: {  	s3 =	sadd.s32 $0x88, s3;
	s6 =	simm.s32 @!p1 $0x1082;
	[sflag:s4] =	ssyncset.s32 $0xFFFFF086  }
0x25: {  	[simem:s6], [sflag:s4] =	dma.local [hbm:s3], $0xF7A  }
0x26: {  	[smem:$0x3F9D] =	sst s1;
	(tag) =	ssettag s2;
	_ =	strace s9  }
0x27: {  	s1 =	sld [smem:$0x3FAD]  }
0x28: {  	s2 =	sld [smem:$0x3FAE]  }
0x29: {  	s4 =	sld [smem:$0x3FB0]  }
0x2a: {  	p0 =	seq.s32 s5, $0x0;
	s5 =	sld [smem:$0x3FB1]  }
0x2b: {  	s6 =	sld [smem:$0x3FB2]  }
0x2c: {  	s7 =	sld [smem:$0x3FB3]  }
0x2d: {  	s3 =	simm.s32 $0x108;
	s8 =	sld [smem:$0x3FB4]  }
0x2e: {  	s3 =	simm.s32 @!p0 $0x1082;
	s9 =	sld [smem:$0x3FB5]  }
0x2f: {  	lr =	sadd.s32 s0, s3;
	s0 =	sld [smem:$0x3FAC]  }
0x30: {  	s3 =	sld [smem:$0x3FAF]  }
0x31: {  	[smem:$0x3FB8] =	sst s10  }
0x32: {  	s10 =	sld [smem:$0x3FB6];
	_ =	sdelay $0x3  }
0x33: {  	p0 =	seq.s32 s10, $0x1;
	s10 =	sld [smem:$0x3FB8];
	_ =	sdelay $0x3  }
0x34: {  	[smem:$0x3FB8] =	sst s10  }
0x35: {  	s10 =	sld [smem:$0x3FB7];
	_ =	sdelay $0x3  }
0x36: {  	p1 =	seq.s32 s10, $0x1;
	s10 =	sld [smem:$0x3FB8];
	_ =	sdelay $0x3  }
0x37: {  	[smem:$0x3FB8] =	sst s10  }
0x38: {  	s10 =	sld [smem:$0x3FB9]  }
0x39: {  	_ = 	snop;
	(pc) =	sbr.ind lr, $3  }
0x3a: {  	_ = 	snop  }
0x3b: {  	_ = 	snop  }
0x3c: {  	p2 =	seq.s32 s10, $0x1;
	s10 =	sld [smem:$0x3FB8]  }
0x3d: {  	_ =	shalt  }
0x3e: {  	_ =	shalt  }
0x3f: {  	_ =	shalt  }
0x40: {  	_ =	shalt  }
0x41: {  	_ =	shalt  }
0x42: {  	_ =	shalt  }
0x43: {  	_ =	shalt  }
0x44: {  	_ =	shalt  }
0x45: {  	_ =	shalt  }
0x46: {  	_ =	shalt  }
0x47: {  	_ =	shalt  }
0x48: {  	_ =	shalt  }
0x49: {  	_ =	shalt  }
0x4a: {  	_ =	shalt  }
0x4b: {  	_ =	shalt  }
0x4c: {  	_ =	shalt  }
0x4d: {  	_ =	shalt  }
0x4e: {  	_ =	shalt  }
0x4f: {  	_ =	shalt  }
0x50: {  	_ =	shalt  }
0x51: {  	_ =	shalt  }
0x52: {  	_ =	shalt  }
0x53: {  	_ =	shalt  }
0x54: {  	_ =	shalt  }
0x55: {  	_ =	shalt  }
0x56: {  	_ =	shalt  }
0x57: {  	_ =	shalt  }
0x58: {  	_ =	shalt  }
0x59: {  	_ =	shalt  }
0x5a: {  	_ =	shalt  }
0x5b: {  	_ =	shalt  }
0x5c: {  	_ =	shalt  }
0x5d: {  	_ =	shalt  }
0x5e: {  	_ =	shalt  }
0x5f: {  	_ =	shalt  }
0x60: {  	_ =	shalt  }
0x61: {  	_ =	shalt  }
0x62: {  	_ =	shalt  }
0x63: {  	_ =	shalt  }
0x64: {  	_ =	shalt  }
0x65: {  	_ =	shalt  }
0x66: {  	_ =	shalt  }
0x67: {  	_ =	shalt  }
0x68: {  	_ =	shalt  }
0x69: {  	_ =	shalt  }
0x6a: {  	_ =	shalt  }
0x6b: {  	_ =	shalt  }
0x6c: {  	_ =	shalt  }
0x6d: {  	_ =	shalt  }
0x6e: {  	_ =	shalt  }
0x6f: {  	_ =	shalt  }
0x70: {  	_ =	shalt  }
0x71: {  	_ =	shalt  }
0x72: {  	_ =	shalt  }
0x73: {  	_ =	shalt  }
0x74: {  	_ =	shalt  }
0x75: {  	_ =	shalt  }
0x76: {  	_ =	shalt  }
0x77: {  	_ =	shalt  }
0x78: {  	_ =	shalt  }
0x79: {  	_ =	shalt  }
0x7a: {  	_ =	shalt  }
0x7b: {  	_ =	shalt  }
0x7c: {  	_ =	shalt  }
0x7d: {  	_ =	shalt  }
0x7e: {  	_ =	shalt  }
0x7f: {  	_ =	shalt  }
0x80: {  	_ =	shalt  }
0x81: {  	_ =	shalt  }
0x82: {  	_ =	shalt  }
0x83: {  	_ =	shalt  }
0x84: {  	_ =	shalt  }
0x85: {  	_ =	shalt  }
0x86: {  	_ =	shalt  }
0x87: {  	_ =	shalt  }
.Lfunc_end0:
.L_simem_size_0:
called_computation_lowered:
.L_overlay_start_0:
0x88: {  	s2 =	sld [smem:$0x3FD9]  }
0x89: {  	s3 =	sld [smem:$0x3FFE];
	_ =	sdelay $0x1  }
0x8a: {  	s1 =	srdreg.scid  }
0x8b: {  	s0 =	sand.u32 $0x1, s1  }
0x8c: {  	s17 =	sshll.u32 s0, $0xA;
	s2 =	sadd.s32 s3, s2  }
0x8d: {  	s2 =	sadd.s32 s2, s17  }
0x8e: {  	[smem:$0x3FC4] =	sst s2  }
0x8f: {  	_ = 	snop  }
0x90: {  	s2 =	sld [smem:$0x3FC7];
	(tm) =	ssettm $0x1  }
0x91: {  	s18 =	sld [smem:$0x3FFB];
	_ =	sdelay $0x3  }
0x92: {  	_ =	strace s18  }
0x93: {  	s3 =	sld [smem:$0x3FFC];
	_ =	sdelay $0x3  }
0x94: {  	_ =	strace s3  }
0x95: {  	s3 =	sld [smem:$0x3FFD];
	_ =	sdelay $0x3  }
0x96: {  	_ =	strace s3  }
0x97: {  	_ =	strace $0x8FFFFFFF  }
0x98: {  	s19 =	sld [smem:$0x3FDB];
	_ =	sdelay $0x1  }
0x99: {  	s4 =	simm.s32 $_scs_section_size  }
0x9a: {  	s5 =	simm.s32 $_size__tile_overlayer_lowered;
	s6 =	simm.s32 $_tile_overlayer_lowered  }
0x9b: {  	s22 =	simm.s32 $0x1BFF;
	s21 =	sshll.u32 s6, $0x1;
	s3 =	sadd.s32 s4, s19  }
0x9c: {  	s7 =	simm.s32 $0x0;
	s20 =	sshll.u32 s5, $0x1;
	s5 =	sadd.s32 s21, s3  }
0x9d: {  	[timem:s7], [sflag:s22] =	dma.local [hbm:s5], s20  }
0x9e: {  	_ =	swait.ge [sflag:s22], s20  }
0x9f: {  	s4 =	ssub.s32 $0x0, s20;
	[sflag:s22] =	ssyncset.done $0x0  }
0xa0: {  	[sflag:s22] =	ssyncadd.s32 s4;
	_ =	sdelay $0x1  }
0xa1: {  	s23 =	simm.s32 $0x1B8B  }
0xa2: {  	_ =	swait.ge [sflag:s23], $0x1  }
0xa3: {  	[sflag:s23] =	ssyncset.done $0x0  }
0xa4: {  	s25 =	simm.s32 $0x1B8E;
	s24 =	sld [smem:$0x3FFE];
	[sflag:s23] =	ssyncadd.s32 $0xFFFFFFFF  }
0xa5: {  	s26 =	simm.s32 $execute0_lowered;
	[smem:$0x3FD2] =	sst s25  }
0xa6: {  	s5 =	sshll.u32 s26, $0x1;
	_ =	strace $0x80000046;
	[dreg:$0x1] =	wrdreg $0xFFFFFFFF  }
0xa7: {  	s28 =	simm.s32 $_size_execute0_lowered;
	s3 =	sadd.s32 s3, s5;
	[dreg:$0x0] =	wrdreg $0x0  }
0xa8: {  	s5 =	sshll.u32 s28, $0x1;
	[dreg:$0x2] =	wrdreg s3  }
0xa9: {  	[dreg:$0x3] =	wrdreg s5  }
0xaa: {  	[dreg:$0x4] =	wrdreg $0xC0  }
0xab: {  	_ =	task [dreg:s7], $0x5FFFF  }
0xac: {  	[dreg:$0x1] =	wrdreg $0xFFFFFFFF  }
0xad: {  	[dreg:$0x0] =	wrdreg $0x60  }
0xae: {  	[dreg:$0x2] =	wrdreg s24  }
0xaf: {  	[dreg:$0x3] =	wrdreg s2  }
0xb0: {  	[dreg:$0x4] =	wrdreg $0x9  }
0xb1: {  	_ =	task.clear_ibuf [dreg:s7], $0x5FFFF;
	_ =	strace $0x90000046  }
0xb2: {  	s29 =	simm.s32 $0x9;
	_ =	strace $0x80000048  }
0xb3: {  	_ =	swait.ge [sflag:s29], $0x1  }
0xb4: {  	[sflag:s29] =	ssyncadd.s32 $0xFFFFFFFF  }
0xb5: {  	_ =	strace $0x90000048  }
0xb6: {  	_ =	sfence  }
0xb7: {  	s30 =	sld [smem:$0x0];
	_ =	sdelay $0x2  }
0xb8: {  	s31 =	sshll.u32 s1, $0xD;
	s1 =	sshrl.u32 s1, $0x2  }
0xb9: {  	s3 =	sand.u32 $0x4000, s31;
	s1 =	sadd.s32 s1, s30  }
0xba: {  	s0 =	sor.u32 s3, s0;
	s1 =	sshll.u32 s1, $0x11  }
0xbb: {  	s0 =	sor.u32 s1, s0  }
0xbc: {  	s0 =	sadd.s32 $0x8F2B, s0  }
0xbd: {  	[sflag:s0] =	ssyncadd.remote.s32 $0x1  }
0xbe: {  	_ =	sfence.sel $0xFFFF  }
0xbf: {  	[dreg:$0x0] =	wrdreg $0xFFFFFFFF;
	(pc) =	sbr.abs _section_cstart, $3  }
0xc0: {  	[dreg:$0x1] =	wrdreg $0xFFFFFFFF  }
0xc1: {  	_ =	task.clear_ibuf [dreg:s7], $0x2FFFF;
	_ =	strace $0x9FFFFFFF  }
0xc2: {  	(tm) =	ssettm $0x7FFFFFFF  }
0xc3: {  	_ =	shalt  }
tec
execute0_lowered:
.L_overlay_start_1:
0x0: {  	(tag) =	ssettag $0x1  }
0x1: {  	s4 =	rddreg [dreg:$0x0]  }
0x2: {  	s5 =	rddreg [dreg:$0x1]  }
0x3: {  	s0 =	rddreg [dreg:$0x2]  }
0x4: {  	s3 =	srdreg.scid;
	s1 =	stileid.u32;
	s2 =	simm.s32 $0x0  }
0x5: {  	s13 =	simm.s32 $0x4000;
	s14 =	simm.s32 $0x1000;
	s15 =	simm.s32 $0x9000  }
0x6: {  	s16 =	simm.s32 $0xA000;
	s17 =	simm.s32 $0xB000;
	s18 =	simm.s32 $0x1  }
0x7: {  	s8 =	sand.u32 $0x1, s3;
	s29 =	sshll.u32 s1, $0x1;
	[smem:$0x7FF] =	sst s2  }
0x8: {  	s3 =	sadd.s32 $0x200600, s4;
	s30 =	sshll.u32 s1, $0xD;
	s6 =	sor.u32 s8, s29  }
0x9: {  	_ =	strace $0x80000047;
	s9 =	ssub.s32 $0x2, s8;
	s31 =	sshll.u32 s8, $0xC  }
0xa: {  	s7 =	sshll.u32 s6, $0xB;
	s10 =	sshll.u32 s6, $0x5;
	s6 =	sshll.u32 s6, $0x9  }
0xb: {  	v1 =	vlaneseq.u32;
	s11 =	sshrl.u32 s9, $0x1;
	s7 =	sadd.s32 s7, s4;
	s10 =	sadd.s32 s10, s4  }
0xc: {  	v0 =	vand.u32 $0x3, v1;
	s12 =	sadd.s32 s6, s4;
	s9 =	ssub.s32 s9, s11;
	s11 =	simm.s32 $0x8000  }
0xd: {  	vm0 =	vcmask $0x2F20;
	vm1 =	vcmask $0x1F10;
	v0 =	vmul.u32 $0x4, v0;
	s4 =	sadd.s32 s5, s6;
	s5 =	sadd.s32 $0x540600, s7;
	s6 =	sadd.s32 $0x550600, s7  }
0xe: {  	vm2 =	vmmov $0xf;
	v5 =	vimm.f32 $1.000000000e+00;
	s19 =	simm.s32 $0x0;
	v1 =	vmul.u32 $0x50, v1;
	s7 =	sadd.s32 $0x344600, s10;
	s8 =	sadd.s32 $0x340600, s12  }
0xf: {  	v2 =	vor.u32 $0x1, v0;
	v3 =	vor.u32 $0x2, v0;
	v4 =	vor.u32 $0x3, v0;
	s9 =	smax.u32 s9, $0x1;
	s10 =	sor.u32 s31, s30;
	s12 =	simm.s32 $0x2  }
.LBB2_1:
0x10: {  	[tilespmem:s11], [sflag:$0x2] =	stream.linear.gather [hbm4b:s4+s2], $0x1000, $0x38;
	[tilespmem:$0xB100] =	vst v63  }
0x11: {  	_ =	swait.ge [sflag:s12], $0x1000  }
0x12: {  	[sflag:s12] =	ssyncset.done $0x0  }
0x13: {  	[sflag:s12] =	ssyncadd.s32 $0xFFFFF000  }
0x14: {  	[tilespmem:s2], [sflag:$0x2] =	stream.linear.gather [hbm4b:s5+s2], $0x4000, $0x38;
	[tilespmem:$0xB100] =	vst v63  }
0x15: {  	_ =	swait.ge [sflag:s12], $0x4000  }
0x16: {  	[sflag:s12] =	ssyncset.done $0x0  }
0x17: {  	[sflag:s12] =	ssyncadd.s32 $0xFFFFC000  }
0x18: {  	[tilespmem:s13], [sflag:$0x2] =	stream.linear.gather [hbm4b:s6+s2], $0x4000, $0x38;
	[tilespmem:$0xB100] =	vst v63  }
0x19: {  	_ =	swait.ge [sflag:s12], $0x4000  }
0x1a: {  	[sflag:s12] =	ssyncset.done $0x0  }
0x1b: {  	s20 =	simm.s32 $0x0;
	[sflag:s12] =	ssyncadd.s32 $0xFFFFC000  }
0x1c: {  	v6 =	vld [tilespmem:s20+$0x8000];
	_ =	sdelay $0x1  }
0x1d: {  	v7 =	vmov s10  }
0x1e: {  	s21 =	simm.s32 $0x40;
	s22 =	smov.u32 s10;
	v7 =	vmul.u32 $0x50, v7  }
.LBB2_2:
0x1f: {  	p0 =	sne.s32 s21, $0x3FC0  }
.Ltmp0:
0x20: {  	s23 =	sshra.s32 s21, $0x2;
	s21 =	sadd.s32 $0x40, s21;
	v7 =	vbroadcast v7, $0x0;
	vm3 =	vlt.s32 v6, $0x4F;
	(pc) =	sbr.rel @p0 .LBB2_2-.Ltmp0, $4  }
0x21: {  	v8 =	vnsel vm3, $0x4F, v6;
	v6 =	vld [tilespmem:s23+$0x8000]  }
0x22: {  	s22 =	sadd.s32 $0x10, s22;
	v7 =	vadd.s32 v8, v7  }
0x23: {  	v8 =	vmov s22;
	v9 =	vadd.s32 v1, v7  }
0x24: {  	v7 =	vmul.u32 $0x50, v8;
	[tilespmem:s20+$0x9000] =	vst v9;
	s20 =	smov.u32 s23  }
0x25: {  	_ = 	snop  }
0x26: {  	v7 =	vbroadcast v7, $0x0;
	vm3 =	vlt.s32 v6, $0x4F  }
0x27: {  	v6 =	vnsel vm3, $0x4F, v6  }
0x28: {  	v6 =	vadd.s32 v6, v7  }
0x29: {  	v6 =	vadd.s32 v1, v6  }
0x2a: {  	s29 =	simm.s32 $0x0;
	[tilespmem:s20+$0x9000] =	vst v6  }
0x2b: {  	[tilespmem:s16], [sflag:$0x1] =	stream.indirect.gather [hbm4b:s3+s14], $0x1, s15, s14, $0xb8;
	[tilespmem:$0xB100] =	vst v63  }
0x2c: {  	v6 =	vld [tilespmem:s29+$0x0]  }
0x2d: {  	v7 =	vld [tilespmem:s29+$0x4010]  }
0x2e: {  	v8 =	vld [tilespmem:s29+$0x4020]  }
0x2f: {  	v9 =	vld [tilespmem:s29+$0x10];
	_ =	sdelay $0x2  }
0x30: {  	v10 =	vld [tilespmem:s29+$0x4030];
	v11 =	vperm.xlane v7, v3  }
0x31: {  	v12 =	vperm.xlane v7, v2;
	v13 =	vperm.xlane v8, v3  }
0x32: {  	v16 =	vld [tilespmem:s29+$0x4000];
	v14 =	vperm.xlane v9, v0;
	v15 =	vperm.xlane v6, v3  }
0x33: {  	v17 =	vld [tilespmem:s29+$0x30];
	v18 =	vperm.xlane v6, v4;
	v19 =	vperm.xlane v7, v4  }
0x34: {  	v20 =	vperm.xlane v9, v2;
	v7 =	vperm.xlane v7, v0  }
0x35: {  	s21 =	simm.s32 $0x8000;
	v21 =	vld [tilespmem:s29+$0x20];
	v22 =	vperm.xlane v6, v2;
	v23 =	vperm.xlane v10, v0  }
0x36: {  	v24 =	vld [tilespmem:s21+$0x0];
	v25 =	vperm.xlane v9, v3;
	v26 =	vperm.xlane v8, v0  }
0x37: {  	v27 =	vperm.xlane v16, v3;
	v28 =	vperm.xlane v16, v2  }
0x38: {  	v29 =	vperm.xlane v8, v4;
	v30 =	vperm.xlane v17, v2  }
0x39: {  	v31 =	vperm.xlane v6, v0;
	v8 =	vperm.xlane v8, v2  }
0x3a: {  	s31 =	simm.s32 $0x40;
	v32 =	vperm.xlane v21, v4;
	v33 =	vperm.xlane v16, v0  }
0x3b: {  	v54 =	vld [tilespmem:s31+$0x30];
	vm3 =	veq.s32 v24, $0x50;
	v9 =	vperm.xlane v9, v4;
	v24 =	vperm.xlane v17, v3  }
0x3c: {  	v56 =	vld [tilespmem:s31+$0x20];
	v35 =	vperm.xlane v10, v4;
	v36 =	vperm.xlane v21, v3  }
0x3d: {  	v37 =	vperm.xlane v21, v2;
	v38 =	vperm.xlane v10, v2  }
0x3e: {  	v39 =	vperm.xlane v17, v0;
	v10 =	vperm.xlane v10, v3  }
0x3f: {  	v21 =	vperm.xlane v21, v0;
	v17 =	vperm.xlane v17, v4  }
0x40: {  	v16 =	vperm.xlane v16, v4;
	v59 =	vperm.xlane v54, v3  }
0x41: {  	v6 =	vimm.f32 $0.0e+00;
	v60 =	vperm.xlane v54, v0;
	v61 =	vperm.xlane v56, v0  }
0x42: {  	v63 =	vperm.xlane v54, v4;
	v34 =	vsel vm3, $0x0, v5;
	vm3 =	vmmov vm3  }
0x43: {  	v34 =	vadd.f32 v34, v6;
	v29 =	vsel vm0, v29, v35;
	v24 =	vsel vm0, v36, v24  }
0x44: {  	v23 =	vsel vm0, v26, v23;
	v8 =	vsel vm0, v8, v38;
	v21 =	vsel vm0, v21, v39  }
0x45: {  	v10 =	vsel vm0, v13, v10;
	v24 =	vsel vm1, v25, v24;
	v7 =	vsel vm1, v7, v23  }
0x46: {  	v8 =	vsel vm1, v12, v8;
	v10 =	vsel vm1, v11, v10;
	v14 =	vsel vm1, v14, v21;
	v21 =	vld [tilespmem:s31+$0x10]  }
0x47: {  	s30 =	simm.s32 $0x8010;
	v11 =	vsel vm0, v32, v17;
	v12 =	vsel vm1, v19, v29;
	v17 =	vsel vm0, v37, v30;
	v25 =	vld [tilespmem:s31+$0x0]  }
0x48: {  	v13 =	vsel vm2, v15, v24;
	v7 =	vsel vm2, v33, v7;
	v8 =	vsel vm2, v28, v8;
	v15 =	vld [tilespmem:s30+$0x0]  }
0x49: {  	v10 =	vsel vm2, v27, v10;
	v14 =	vsel vm2, v31, v14;
	v24 =	vld [tilespmem:s31+$0x4010];
	v17 =	vsel vm1, v20, v17  }
0x4a: {  	v12 =	vsel vm2, v16, v12;
	v20 =	vld [tilespmem:s31+$0x4020];
	v9 =	vsel vm1, v9, v11;
	v19 =	vsub.f32 v10, v7  }
0x4b: {  	v23 =	vmin.f32 v13, v10;
	v16 =	vmax.f32 v14, v7;
	v7 =	vmin.f32 v14, v7  }
0x4c: {  	v11 =	vld [tilespmem:s31+$0x4000];
	v16 =	vsub.f32 v23, v16;
	v23 =	vmax.f32 v13, v10;
	v13 =	vsub.f32 v13, v14  }
0x4d: {  	v23 =	vsub.f32 v23, v7;
	v10 =	vperm.xlane v21, v0;
	v52 =	vperm.xlane v25, v3  }
0x4e: {  	v58 =	vperm.xlane v21, v3;
	vm4 =	veq.s32 v15, $0x50;
	v27 =	vperm.xlane v24, v3  }
0x4f: {  	v15 =	vsel vm2, v22, v17;
	v28 =	vperm.xlane v24, v2;
	v50 =	vperm.xlane v20, v3  }
0x50: {  	v17 =	vsel vm2, v18, v9;
	v55 =	vperm.xlane v24, v4;
	v24 =	vperm.xlane v24, v0  }
0x51: {  	v9 =	vsub.f32 v12, v8;
	v40 =	vperm.xlane v20, v0;
	v41 =	vperm.xlane v11, v2  }
0x52: {  	v18 =	vmin.f32 v15, v8;
	v26 =	vsel vm4, $0x0, v5;
	v29 =	vmax.f32 v15, v8  }
0x53: {  	v51 =	vmax.f32 v17, v12;
	v8 =	vperm.xlane v25, v4;
	v14 =	vsub.f32 v17, v15  }
0x54: {  	v53 =	vmul.f32 v9, v19;
	v19 =	vmin.f32 v17, v12;
	v12 =	vperm.xlane v21, v2  }
0x55: {  	v22 =	vld [tilespmem:s31+$0x4030];
	v31 =	vsub.f32 v51, v18;
	v9 =	vperm.xlane v25, v2;
	v17 =	vperm.xlane v11, v3  }
0x56: {  	v7 =	vadd.f32 v26, v34;
	v18 =	vperm.xlane v25, v0;
	v26 =	vperm.xlane v56, v4  }
0x57: {  	v25 =	vmax.f32 v16, $0.0e+00;
	v16 =	vperm.xlane v21, v4;
	v21 =	vperm.xlane v56, v2  }
0x58: {  	v15 =	vsub.f32 v19, v29;
	v29 =	vperm.xlane v20, v4;
	v13 =	vmul.f32 v14, v13  }
0x59: {  	v19 =	vperm.xlane v54, v2;
	v14 =	vmax.f32 v23, $0.0e+00;
	v20 =	vperm.xlane v20, v2  }
0x5a: {  	v23 =	vperm.xlane v11, v0;
	v57 =	vperm.xlane v22, v0;
	v33 =	vadd.f32 v53, v13  }
0x5b: {  	v42 =	vperm.xlane v22, v4;
	v43 =	vperm.xlane v22, v2;
	v13 =	vmax.f32 v15, $0.0e+00  }
0x5c: {  	v15 =	vperm.xlane v56, v3;
	v13 =	vmul.f32 v13, v25;
	v25 =	vmax.f32 v31, $0.0e+00  }
0x5d: {  	v22 =	vperm.xlane v22, v3;
	v29 =	vsel vm0, v29, v42;
	v14 =	vmul.f32 v25, v14  }
0x5e: {  	v15 =	vsel vm0, v15, v59;
	v25 =	vsel vm0, v40, v57;
	v20 =	vsel vm0, v20, v43  }
0x5f: {  	v22 =	vsel vm0, v50, v22;
	v62 =	vsel vm1, v58, v15;
	v15 =	vsub.f32 v33, v13  }
0x60: {  	v24 =	vsel vm1, v24, v25;
	v25 =	vsel vm0, v61, v60;
	v28 =	vsel vm1, v28, v20  }
0x61: {  	v27 =	vsel vm1, v27, v22;
	v20 =	vsel vm2, v52, v62;
	v23 =	vsel vm2, v23, v24  }
0x62: {  	s20 =	simm.s32 $0x200;
	s21 =	simm.s32 $0x8020;
	v24 =	vsel vm0, v26, v63;
	v22 =	vsel vm2, v41, v28;
	v26 =	vsel vm1, v55, v29  }
.LBB2_4:
0x63: {  	v19 =	vsel vm0, v21, v19;
	v17 =	vsel vm2, v17, v27  }
0x64: {  	s22 =	sshra.s32 s20, $0x2;
	v28 =	vld [tilespmem:s21+$0x0];
	p0 =	sne.s32 s20, $0xFF00;
	s20 =	sadd.s32 $0x100, s20;
	(erf) = vrcp.f32 v15;
	vm5 =	vmmov vm3;
	vm3 =	vmmov vm4  }
0x65: {  	v10 =	vsel vm1, v10, v25;
	v11 =	vperm.xlane v11, v4;
	v21 =	vld [tilespmem:s22+$0x0];
	v25 =	vsub.f32 v17, v23  }
0x66: {  	v18 =	vsel vm2, v18, v10;
	v10 =	vmin.f32 v20, v17;
	v27 =	vld [tilespmem:s22+$0x10];
	(erf) = vrcp.f32 v14  }
0x67: {  	v12 =	vsel vm1, v12, v19;
	v11 =	vsel vm2, v11, v26;
	v19 =	vmax.f32 v18, v23;
	v29 =	vld [tilespmem:s22+$0x4010]  }
0x68: {  	v30 =	vsub.f32 v10, v19;
	v10 =	vmax.f32 v20, v17;
	v17 =	vmin.f32 v18, v23;
	v26 =	vld [tilespmem:s22+$0x4020]  }
0x69: {  	v19 =	vsel vm2, v9, v12;
	v9 =	vsel vm1, v16, v24;
	v23 =	vld [tilespmem:s22+$0x4030];
	vm4 =	veq.s32 v28, $0x50  }
0x6a: {  	v16 =	vsel vm2, v8, v9;
	v8 =	vsub.f32 v11, v22;
	v9 =	vmin.f32 v19, v22;
	v24 =	vld [tilespmem:s22+$0x20]  }
0x6b: {  	v12 =	vmax.f32 v19, v22;
	v22 =	vmax.f32 v16, v11;
	v31 =	vsel vm4, $0x0, v5;
	v28 =	vld [tilespmem:s22+$0x30]  }
0x6c: {  	v34 =	vsub.f32 v10, v17;
	v33 =	vmin.f32 v16, v11;
	v32 =	vperm.xlane v29, v3  }
0x6d: {  	v22 =	vsub.f32 v22, v9;
	v35 =	vperm.xlane v29, v2;
	v36 =	vperm.xlane v26, v3;
	v9 =	vpop (erf)  }
0x6e: {  	v14 =	vsub.f32 v14, v15;
	v10 =	vperm.xlane v27, v0;
	v13 =	vmul.f32 v9, v13  }
0x6f: {  	v15 =	vsub.f32 v20, v18;
	v37 =	vperm.xlane v21, v3;
	v20 =	vmul.f32 v8, v25;
	v11 =	vld [tilespmem:s22+$0x4000];
	v17 =	vpop (erf)  }
0x70: {  	v8 =	vperm.xlane v21, v4;
	v25 =	vsub.f32 v33, v12;
	v38 =	vperm.xlane v29, v4  }
0x71: {  	v12 =	vperm.xlane v27, v2;
	v29 =	vperm.xlane v29, v0  }
0x72: {  	v16 =	vsub.f32 v16, v19;
	v9 =	vperm.xlane v21, v2;
	v33 =	vperm.xlane v23, v0  }
0x73: {  	v39 =	vperm.xlane v27, v3;
	v7 =	vadd.f32 v31, v7;
	v14 =	vmul.f32 v14, v17  }
0x74: {  	v34 =	vmax.f32 v34, $0.0e+00;
	v31 =	vperm.xlane v26, v0;
	v17 =	vperm.xlane v11, v3  }
0x75: {  	v41 =	vperm.xlane v26, v4;
	v13 =	vsub.f32 v14, v13;
	v40 =	vperm.xlane v11, v2  }
0x76: {  	v19 =	vperm.xlane v28, v2;
	v14 =	vmul.f32 v16, v15  }
0x77: {  	v18 =	vperm.xlane v21, v0;
	v26 =	vperm.xlane v26, v2;
	v13 =	vadd.f32 $1.000000000e+00, v13  }
0x78: {  	v42 =	vperm.xlane v24, v4;
	v15 =	vmax.f32 v30, $0.0e+00;
	v43 =	vperm.xlane v11, v0  }
0x79: {  	v16 =	vperm.xlane v27, v4;
	v20 =	vadd.f32 v20, v14;
	v13 =	vsel vm5, $0x0, v13  }
0x7a: {  	v27 =	vperm.xlane v28, v3;
	v14 =	vperm.xlane v23, v4;
	v6 =	vadd.f32 v13, v6  }
0x7b: {  	v21 =	vperm.xlane v24, v2;
	v30 =	vperm.xlane v23, v2;
	v13 =	vmax.f32 v25, $0.0e+00  }
0x7c: {  	v25 =	vperm.xlane v24, v3;
	v13 =	vmul.f32 v13, v15;
	v15 =	vmax.f32 v22, $0.0e+00  }
0x7d: {  	v41 =	vsel vm0, v41, v14;
	v22 =	vperm.xlane v28, v0;
	v14 =	vmul.f32 v15, v34  }
0x7e: {  	v23 =	vperm.xlane v23, v3;
	v15 =	vsel vm0, v25, v27;
	v25 =	vsel vm0, v31, v33  }
.Ltmp1:
0x7f: {  	v24 =	vperm.xlane v24, v0;
	v27 =	vsel vm1, v39, v15;
	v15 =	vsub.f32 v20, v13;
	(pc) =	sbr.rel @p0 .LBB2_4-.Ltmp1, $4  }
0x80: {  	v28 =	vperm.xlane v28, v4;
	v29 =	vsel vm1, v29, v25;
	v20 =	vsel vm0, v26, v30  }
0x81: {  	v25 =	vsel vm0, v24, v22;
	v24 =	vsel vm0, v36, v23;
	v22 =	vsel vm1, v35, v20  }
0x82: {  	v20 =	vsel vm2, v37, v27;
	v23 =	vsel vm2, v43, v29;
	v27 =	vsel vm1, v32, v24  }
0x83: {  	s21 =	sadd.s32 $0x10, s21;
	v26 =	vsel vm1, v38, v41;
	v24 =	vsel vm0, v42, v28;
	v22 =	vsel vm2, v40, v22  }
0x84: {  	v19 =	vsel vm0, v21, v19;
	v10 =	vsel vm1, v10, v25  }
0x85: {  	v17 =	vsel vm2, v17, v27;
	v11 =	vperm.xlane v11, v4;
	v47 =	vsel vm1, v16, v24  }
0x86: {  	v10 =	vsel vm2, v18, v10;
	v43 =	vsub.f32 v17, v23;
	v44 =	vmin.f32 v20, v17  }
0x87: {  	v12 =	vsel vm1, v12, v19;
	v17 =	vmax.f32 v20, v17;
	v8 =	vsel vm2, v8, v47  }
0x88: {  	v45 =	vmax.f32 v10, v23;
	v11 =	vsel vm2, v11, v26;
	v9 =	vsel vm2, v9, v12  }
0x89: {  	v51 =	vsub.f32 v20, v10;
	v10 =	vmin.f32 v10, v23;
	v48 =	vsub.f32 v11, v22  }
0x8a: {  	v49 =	vmax.f32 v9, v22;
	v50 =	vmin.f32 v8, v11;
	v52 =	vsub.f32 v8, v9  }
0x8b: {  	v46 =	vsub.f32 v44, v45;
	v9 =	vmin.f32 v9, v22;
	v16 =	vsub.f32 v50, v49  }
0x8c: {  	v8 =	vmax.f32 v8, v11;
	v53 =	vmul.f32 v48, v43;
	v54 =	vmul.f32 v52, v51  }
0x8d: {  	v10 =	vsub.f32 v17, v10;
	v55 =	vmax.f32 v46, $0.0e+00;
	v16 =	vmax.f32 v16, $0.0e+00  }
0x8e: {  	v8 =	vsub.f32 v8, v9;
	v56 =	vadd.f32 v53, v54;
	v57 =	vmul.f32 v16, v55  }
0x8f: {  	(erf) = vrcp.f32 v15  }
0x90: {  	v10 =	vmax.f32 v10, $0.0e+00;
	v8 =	vmax.f32 v8, $0.0e+00;
	v9 =	vsub.f32 v56, v57  }
0x91: {  	(erf) = vrcp.f32 v14;
	v8 =	vmul.f32 v8, v10  }
0x92: {  	(erf) = vrcp.f32 v9  }
0x93: {  	(erf) = vrcp.f32 v8;
	_ =	sdelay $0x5  }
0x94: {  	v59 =	vsub.f32 v14, v15;
	v58 =	vpop (erf)  }
0x95: {  	v60 =	vpop (erf)  }
0x96: {  	v10 =	vmul.f32 v58, v13;
	v12 =	vmul.f32 v59, v60;
	v8 =	vsub.f32 v8, v9;
	v61 =	vpop (erf)  }
0x97: {  	v62 =	vpop (erf)  }
0x98: {  	v10 =	vsub.f32 v12, v10;
	v11 =	vmul.f32 v61, v57;
	v8 =	vmul.f32 v8, v62;
	_ =	sdelay $0x1  }
0x99: {  	v63 =	vadd.f32 $1.000000000e+00, v10;
	v8 =	vsub.f32 v8, v11  }
0x9a: {  	vm3 =	vmmov vm3  }
0x9b: {  	vm4 =	vmmov vm4;
	v9 =	vsel vm3, $0x0, v63;
	v8 =	vadd.f32 $1.000000000e+00, v8  }
0x9c: {  	vm3 =	vmmov vm4;
	v6 =	vadd.f32 v9, v6  }
0x9d: {  	v8 =	vsel vm3, $0x0, v8  }
0x9e: {  	v6 =	vadd.f32 v8, v6  }
0x9f: {  	[tilespmem:$0xB080] =	vst v7  }
0xa0: {  	[tilespmem:$0xB000] =	vst v6  }
0xa1: {  	[hbm4b:s7+s2] =	stream.linear.scatter [tilespmem:s17], [sflag:$0x2], $0x100, $0x38;
	[tilespmem:$0xB100] =	vst v63  }
0xa2: {  	_ =	swait.ge [sflag:s12], $0x100  }
0xa3: {  	[sflag:s12] =	ssyncset.done $0x0  }
0xa4: {  	[sflag:s12] =	ssyncadd.s32 $0xFFFFFF00  }
0xa5: {  	s19 =	sadd.s32 $0x1, s19;
	_ =	swait.ge [sflag:s18], $0x1000  }
0xa6: {  	p0 =	sne.s32 s19, s9;
	[sflag:s18] =	ssyncset.done $0x0  }
.Ltmp2:
0xa7: {  	[sflag:s18] =	ssyncadd.s32 $0xFFFFF000;
	(pc) =	sbr.rel @p0 .LBB2_1-.Ltmp2, $4  }
0xa8: {  	[hbm4b:s8+s2] =	stream.linear.scatter [tilespmem:s16], [sflag:$0x2], $0x1000, $0x38;
	[tilespmem:$0xB100] =	vst v63  }
0xa9: {  	_ =	swait.ge [sflag:s12], $0x1000  }
0xaa: {  	[sflag:s12] =	ssyncset.done $0x0  }
0xab: {  	[sflag:s12] =	ssyncadd.s32 $0xFFFFF000  }
0xac: {  	_ =	sfence.sel $0x180000  }
0xad: {  	[bflag:$0x0] =	sbarrier.arrive $0xFFFF  }
0xae: {  	p0 =	sne.s32 s1, $0x0;
	_ =	strace $0x90000047  }
0xaf: {  	s0 =	sadd.s32 @!p0 $0x100000, s0;
	[bflag:$0x2] =	sbarrier.arrive $0xFFFF  }
0xb0: {  	[sflag:s0] =	ssyncadd.tile.s32 @!p0 $0x1;
	_ =	shalt  }
.Lfunc_end2:
_tile_overlayer_lowered:
.L_overlay_start_2:
0xb1: {  	(tag) =	ssettag $0x2  }
0xb2: {  	s0 =	rddreg [dreg:$0x0];
	s2 =	stileid.u32  }
0xb3: {  	s1 =	rddreg [dreg:$0x1];
	p0 =	sne.s32 s2, $0x0  }
0xb4: {  	s3 =	rddreg [dreg:$0x2];
	[bflag:$0x3] =	sbarrier.arrive $0xFFFF;
	s2 =	simm.s32 @!p0 $0x1C02  }
0xb5: {  	[timem:s3], [sflag:s2] =	dma.local @!p0 [hbm:s0], s1  }
0xb6: {  	s0 =	simm.s32 @!p0 $0x2  }
0xb7: {  	_ =	swait.ge @!p0 [sflag:s0], s1  }
0xb8: {  	s1 =	ssub.s32 @!p0 $0x0, s1;
	[sflag:s0] =	ssyncset.done @!p0 $0x0  }
0xb9: {  	[sflag:s0] =	ssyncadd.s32 @!p0 s1  }
0xba: {  	[bflag:$0x3] =	sbarrier.arrive $0xFFFF  }
0xbb: {  	_ =	shalt  }

</sc_bundles>
